<compile_context>
chip_gen: v7x
topology: tpu7x:2x2x1
jax: 0.10.2.dev20260603
libtpu: 0.0.44.dev20260713+nightly
codegen_flags: <defaults>
</compile_context>

<pallas_src>
import functools

import jax
import jax.numpy as jnp
from jax import lax
from jax.experimental import pallas as pl
from jax.experimental.pallas import tpu as pltpu
from jax.experimental.pallas import tpu_sc as plsc

_NUM_VOCAB = 100000
_MAXLEN = 200
_HID = 64
_PAD = 128
_BATCH = 4096
_SEQ = 200

_NC = 2
_NS = 16
_NW = _NC * _NS
_TOTAL = _BATCH * _SEQ
_PER_W = _TOTAL // _NW
_ROWS_W = _BATCH // _NW
_NBUF = 2
_VLANES = 16
_SUBS = ((0, 128), (128, 72))


def _sc_embed(x2d, emb128, pos128):
  mesh = plsc.VectorSubcoreMesh(core_axis_name="c", subcore_axis_name="s")

  @functools.partial(
      pl.kernel,
      out_type=jax.ShapeDtypeStruct((_BATCH, _SEQ, _HID), jnp.float32),
      mesh=mesh,
      compiler_params=pltpu.CompilerParams(use_tc_tiling_on_sc=True),
      scratch_types=(
          [pltpu.VMEM((_ROWS_W, _SEQ), jnp.int32)]
          + [pltpu.VMEM_SHARED((_SEQ, _PAD), jnp.float32)]
          + [pltpu.VMEM((_SEQ, _PAD), jnp.float32)] * _NBUF
          + [pltpu.VMEM((_SEQ, _HID), jnp.float32)]
          + [pltpu.SemaphoreType.DMA] * _NBUF
          + [pltpu.SemaphoreType.DMA]
      ),
  )
  def k(x_hbm, emb_hbm, pos_hbm, out_hbm, idx_v, pos_v, *bufs_and_sems):
    rows = bufs_and_sems[:_NBUF]
    rows64 = bufs_and_sems[_NBUF]
    gsems = bufs_and_sems[_NBUF + 1:2 * _NBUF + 1]
    ssem = bufs_and_sems[2 * _NBUF + 1]
    wid = lax.axis_index("s") * _NC + lax.axis_index("c")
    wrow = wid * _ROWS_W
    pltpu.sync_copy(x_hbm.at[pl.ds(wrow, _ROWS_W)], idx_v)
    @pl.when(lax.axis_index("s") == 0)
    def _():
      pltpu.sync_copy(pos_hbm, pos_v)
    plsc.subcore_barrier()

    def prefill(b):
      pltpu.sync_copy(pos_v, rows[b])

    def gstart(b, s):
      for off, n in _SUBS:
        pltpu.async_copy(
            emb_hbm.at[idx_v.at[s, pl.ds(off, n)]],
            rows[b].at[pl.ds(off, n)],
            gsems[b],
            add=True,
        )

    def gwait(b, s):
      for off, n in _SUBS:
        pltpu.make_async_copy(
            emb_hbm.at[idx_v.at[s, pl.ds(off, n)]],
            rows[b].at[pl.ds(off, n)],
            gsems[b],
        ).wait()

    def compact(b):
      def row_body(r, carry):
        for c in range(_HID // _VLANES):
          rows64[r, pl.ds(c * _VLANES, _VLANES)] = (
              rows[b][r, pl.ds(c * _VLANES, _VLANES)])
        return carry
      lax.fori_loop(0, _SEQ, row_body, 0)

    def sstart(s):
      pltpu.async_copy(rows64, out_hbm.at[wrow + s], ssem)

    def swait(s):
      pltpu.make_async_copy(rows64, out_hbm.at[wrow + s], ssem).wait()

    for b in range(_NBUF):
      prefill(b)
      gstart(b, b)
    gwait(0, 0)
    compact(0)
    sstart(0)
    prefill(0)
    gstart(0, _NBUF)

    def body(s, carry):
      b = lax.rem(s, _NBUF)
      for bb in range(_NBUF):
        @pl.when(b == bb)
        def _():
          gwait(bb, s)
          swait(s - 1)
          compact(bb)
          sstart(s)
          prefill(bb)
          gstart(bb, s + _NBUF)
      return carry

    lax.fori_loop(1, _ROWS_W - _NBUF, body, 0)

    for b2 in range(_NBUF):
      s = _ROWS_W - _NBUF + b2
      b = s % _NBUF
      gwait(b, s)
      swait(s - 1)
      compact(b)
      sstart(s)
    swait(_ROWS_W - 1)

  return k(x2d, emb128, pos128)


def kernel(x, emb_weight, pos_emb_weight):
  emb128 = jnp.pad(emb_weight, ((0, 0), (0, _PAD - _HID)))
  pos128 = jnp.pad(pos_emb_weight, ((0, 0), (0, _PAD - _HID)))
  return _sc_embed(x.astype(jnp.int32), emb128, pos128)

# --- scband reference (transcript-rebuilt; emitter-appended) ---
"""Pipeline reference for scband-positional-embedding-14946486190236 (READ-ONLY COPY).

The authoritative reference and input builder live on the scoring server;
editing this copy changes nothing except your own understanding.
"""

import jax, jax.numpy as jnp
import numpy as np

NUM_VOCAB = 100000
MAXLEN = 200
NUM_HID = 64
BATCH = 4096
SEQ = 200


def setup_inputs(seed: int = 0) -> dict:
    key = jax.random.key(seed)
    k_x, k_emb, k_pos = jax.random.split(key, 3)
    x = jax.random.randint(k_x, (BATCH, SEQ), 0, NUM_VOCAB, dtype=jnp.int64 if jax.config.jax_enable_x64 else jnp.int32)
    emb_weight = jax.random.normal(k_emb, (NUM_VOCAB, NUM_HID), dtype=jnp.float32)
    pos_emb_weight = jax.random.normal(k_pos, (MAXLEN, NUM_HID), dtype=jnp.float32)
    return {"x": x, "emb_weight": emb_weight, "pos_emb_weight": pos_emb_weight}


def reference(x, emb_weight, pos_emb_weight):
    # token embedding lookup: gather rows of emb_weight
    tok = jnp.take(emb_weight, x, axis=0)  # [B, S, H]
    maxlen = x.shape[-1]
    positions = jnp.arange(0, maxlen)
    pos = jnp.take(pos_emb_weight, positions, axis=0)  # [S, H]
    return tok + pos

if __name__ == "__main__":
    import jax
    _d = setup_inputs()
    print(jax.jit(kernel)(*tuple(_d.values())))

</pallas_src>

<mosaic_0001>
#map = affine_map<(d0, d1) -> (0, 0)>
#map1 = affine_map<(d0, d1) -> (0, 0, 0)>
module attributes {stable_mosaic.version = 14 : i64} {
  func.func @k(%arg0: i32, %arg1: i32, %arg2: memref<4096x200xi32, #tpu.memory_space<hbm>>, %arg3: memref<100000x128xf32, #tpu.memory_space<hbm>>, %arg4: memref<200x128xf32, #tpu.memory_space<hbm>>, %arg5: memref<4096x200x64xf32, #tpu.memory_space<hbm>>, %arg6: memref<128x200xi32, #tpu.memory_space<vmem>>, %arg7: memref<200x128xf32, #tpu.memory_space<vmem_shared>>, %arg8: memref<200x128xf32, #tpu.memory_space<vmem>>, %arg9: memref<200x128xf32, #tpu.memory_space<vmem>>, %arg10: memref<200x64xf32, #tpu.memory_space<vmem>>, %arg11: memref<!tpu.dma_semaphore, #tpu.memory_space<semaphore_mem>>, %arg12: memref<!tpu.dma_semaphore, #tpu.memory_space<semaphore_mem>>, %arg13: memref<!tpu.dma_semaphore, #tpu.memory_space<semaphore_mem>>) attributes {dimension_semantics = [#tpu.dimension_semantics<core_parallel>, #tpu.dimension_semantics<subcore_parallel>], iteration_bounds = array<i64: 2, 16>, scalar_prefetch = 0 : i64, scratch_operands = 8 : i64, tpu.core_type = #tpu.core_type<sc_vector_subcore>, window_params = [{transform_indices = #map}, {transform_indices = #map}, {transform_indices = #map}, {transform_indices = #map1}]} {
    %mul3A = arith.constant 2 : i32
    %mul3A_0 = arith.muli %arg1, %mul3A : i32
    %add3A = arith.addi %mul3A_0, %arg0 : i32
    %mul3A_1 = arith.constant 128 : i32
    %mul3A_2 = arith.muli %add3A, %mul3A_1 : i32
    "tpu.region"() ({
      %run_scoped3A = tpu.sem_alloc : memref<!tpu.dma_semaphore, #tpu.memory_space<semaphore_mem>>
      %dma_start3A_206 = arith.constant 0 : i32
      %dma_start3A_207 = tpu.memref_slice %arg2[%mul3A_2, %dma_start3A_206] : memref<4096x200xi32, #tpu.memory_space<hbm>> -> memref<128x200xi32, #tpu.memory_space<hbm>>
      %dma_start3A_208 = arith.constant 0 : i32
      %dma_start3A_209 = tpu.memref_slice %arg2[%mul3A_2, %dma_start3A_208] : memref<4096x200xi32, #tpu.memory_space<hbm>> -> memref<128x200xi32, #tpu.memory_space<hbm>>
      tpu.enqueue_dma source(%dma_start3A_209 : memref<128x200xi32, #tpu.memory_space<hbm>>) target(%arg6 : memref<128x200xi32, #tpu.memory_space<vmem>>) target_semaphore(%run_scoped3A : memref<!tpu.dma_semaphore, #tpu.memory_space<semaphore_mem>>)
      %dma_wait3A_210 = arith.constant 0 : i32
      %dma_wait3A_211 = tpu.memref_slice %arg2[%mul3A_2, %dma_wait3A_210] : memref<4096x200xi32, #tpu.memory_space<hbm>> -> memref<128x200xi32, #tpu.memory_space<hbm>>
      %dma_wait3A_212 = arith.constant 0 : i32
      %dma_wait3A_213 = tpu.memref_slice %arg2[%mul3A_2, %dma_wait3A_212] : memref<4096x200xi32, #tpu.memory_space<hbm>> -> memref<128x200xi32, #tpu.memory_space<hbm>>
      tpu.wait_dma2 semaphore(%run_scoped3A : memref<!tpu.dma_semaphore, #tpu.memory_space<semaphore_mem>>) src(%dma_wait3A_213 : memref<128x200xi32, #tpu.memory_space<hbm>>) dst(%arg6 : memref<128x200xi32, #tpu.memory_space<vmem>>)
      tpu.yield
    }) : () -> ()
    %eq3A = arith.constant 0 : i32
    %eq3A_3 = arith.cmpi eq, %arg1, %eq3A : i32
    %convert_element_type3A = arith.extui %eq3A_3 : i1 to i32
    %cond3A = arith.constant 0 : i32
    %cond3A_4 = arith.cmpi ne, %convert_element_type3A, %cond3A : i32
    scf.if %cond3A_4 {
      "tpu.region"() ({
        %run_scoped3A = tpu.sem_alloc : memref<!tpu.dma_semaphore, #tpu.memory_space<semaphore_mem>>
        tpu.enqueue_dma source(%arg4 : memref<200x128xf32, #tpu.memory_space<hbm>>) target(%arg7 : memref<200x128xf32, #tpu.memory_space<vmem_shared>>) target_semaphore(%run_scoped3A : memref<!tpu.dma_semaphore, #tpu.memory_space<semaphore_mem>>)
        tpu.wait_dma2 semaphore(%run_scoped3A : memref<!tpu.dma_semaphore, #tpu.memory_space<semaphore_mem>>) src(%arg4 : memref<200x128xf32, #tpu.memory_space<hbm>>) dst(%arg7 : memref<200x128xf32, #tpu.memory_space<vmem_shared>>)
        tpu.yield
      }) : () -> ()
    } else {
    }
    %barrier3A = arith.constant 0 : index
    tpu.barrier barrier_id(%barrier3A)
    "tpu.region"() ({
      %run_scoped3A = tpu.sem_alloc : memref<!tpu.dma_semaphore, #tpu.memory_space<semaphore_mem>>
      tpu.enqueue_dma source(%arg7 : memref<200x128xf32, #tpu.memory_space<vmem_shared>>) target(%arg8 : memref<200x128xf32, #tpu.memory_space<vmem>>) target_semaphore(%run_scoped3A : memref<!tpu.dma_semaphore, #tpu.memory_space<semaphore_mem>>)
      tpu.wait_dma2 semaphore(%run_scoped3A : memref<!tpu.dma_semaphore, #tpu.memory_space<semaphore_mem>>) src(%arg7 : memref<200x128xf32, #tpu.memory_space<vmem_shared>>) dst(%arg8 : memref<200x128xf32, #tpu.memory_space<vmem>>)
      tpu.yield
    }) : () -> ()
    %dma_start3A = arith.constant 0 : i32
    %dma_start3A_5 = arith.constant 0 : i32
    %dma_start3A_6 = arith.constant 0 : i32
    %dma_start3A_7 = tpu.memref_slice %arg8[%dma_start3A_5, %dma_start3A_6] : memref<200x128xf32, #tpu.memory_space<vmem>> -> memref<128x128xf32, #tpu.memory_space<vmem>>
    %dma_start3A_8 = arith.constant 0 : i32
    %dma_start3A_9 = tpu.memref_slice %arg6[%dma_start3A, %dma_start3A_8] : memref<128x200xi32, #tpu.memory_space<vmem>> -> memref<1x128xi32, #tpu.memory_space<vmem>>
    %dma_start3A_10 = tpu.memref_squeeze %dma_start3A_9 : memref<1x128xi32, #tpu.memory_space<vmem>> -> memref<128xi32, #tpu.memory_space<vmem>>
    %dma_start3A_11 = arith.constant 0 : i32
    %dma_start3A_12 = arith.constant 0 : i32
    %dma_start3A_13 = tpu.memref_slice %arg3[%dma_start3A_11, %dma_start3A_12] : memref<100000x128xf32, #tpu.memory_space<hbm>> -> memref<100000x128xf32, #tpu.memory_space<hbm>>
    tpu.enqueue_indirect_dma source(%dma_start3A_13 : memref<100000x128xf32, #tpu.memory_space<hbm>>) target(%dma_start3A_7 : memref<128x128xf32, #tpu.memory_space<vmem>>) offsets(%dma_start3A_10 : memref<128xi32, #tpu.memory_space<vmem>>) semaphore(%arg11 : memref<!tpu.dma_semaphore, #tpu.memory_space<semaphore_mem>>) {add = true}
    %dma_start3A_14 = arith.constant 0 : i32
    %dma_start3A_15 = arith.constant 128 : i32
    %dma_start3A_16 = arith.constant 0 : i32
    %dma_start3A_17 = tpu.memref_slice %arg8[%dma_start3A_15, %dma_start3A_16] : memref<200x128xf32, #tpu.memory_space<vmem>> -> memref<72x128xf32, #tpu.memory_space<vmem>>
    %dma_start3A_18 = arith.constant 128 : i32
    %dma_start3A_19 = tpu.memref_slice %arg6[%dma_start3A_14, %dma_start3A_18] : memref<128x200xi32, #tpu.memory_space<vmem>> -> memref<1x72xi32, #tpu.memory_space<vmem>>
    %dma_start3A_20 = tpu.memref_squeeze %dma_start3A_19 : memref<1x72xi32, #tpu.memory_space<vmem>> -> memref<72xi32, #tpu.memory_space<vmem>>
    %dma_start3A_21 = arith.constant 0 : i32
    %dma_start3A_22 = arith.constant 0 : i32
    %dma_start3A_23 = tpu.memref_slice %arg3[%dma_start3A_21, %dma_start3A_22] : memref<100000x128xf32, #tpu.memory_space<hbm>> -> memref<100000x128xf32, #tpu.memory_space<hbm>>
    tpu.enqueue_indirect_dma source(%dma_start3A_23 : memref<100000x128xf32, #tpu.memory_space<hbm>>) target(%dma_start3A_17 : memref<72x128xf32, #tpu.memory_space<vmem>>) offsets(%dma_start3A_20 : memref<72xi32, #tpu.memory_space<vmem>>) semaphore(%arg11 : memref<!tpu.dma_semaphore, #tpu.memory_space<semaphore_mem>>) {add = true}
    "tpu.region"() ({
      %run_scoped3A = tpu.sem_alloc : memref<!tpu.dma_semaphore, #tpu.memory_space<semaphore_mem>>
      tpu.enqueue_dma source(%arg7 : memref<200x128xf32, #tpu.memory_space<vmem_shared>>) target(%arg9 : memref<200x128xf32, #tpu.memory_space<vmem>>) target_semaphore(%run_scoped3A : memref<!tpu.dma_semaphore, #tpu.memory_space<semaphore_mem>>)
      tpu.wait_dma2 semaphore(%run_scoped3A : memref<!tpu.dma_semaphore, #tpu.memory_space<semaphore_mem>>) src(%arg7 : memref<200x128xf32, #tpu.memory_space<vmem_shared>>) dst(%arg9 : memref<200x128xf32, #tpu.memory_space<vmem>>)
      tpu.yield
    }) : () -> ()
    %dma_start3A_24 = arith.constant 1 : i32
    %dma_start3A_25 = arith.constant 0 : i32
    %dma_start3A_26 = arith.constant 0 : i32
    %dma_start3A_27 = tpu.memref_slice %arg9[%dma_start3A_25, %dma_start3A_26] : memref<200x128xf32, #tpu.memory_space<vmem>> -> memref<128x128xf32, #tpu.memory_space<vmem>>
    %dma_start3A_28 = arith.constant 0 : i32
    %dma_start3A_29 = tpu.memref_slice %arg6[%dma_start3A_24, %dma_start3A_28] : memref<128x200xi32, #tpu.memory_space<vmem>> -> memref<1x128xi32, #tpu.memory_space<vmem>>
    %dma_start3A_30 = tpu.memref_squeeze %dma_start3A_29 : memref<1x128xi32, #tpu.memory_space<vmem>> -> memref<128xi32, #tpu.memory_space<vmem>>
    %dma_start3A_31 = arith.constant 0 : i32
    %dma_start3A_32 = arith.constant 0 : i32
    %dma_start3A_33 = tpu.memref_slice %arg3[%dma_start3A_31, %dma_start3A_32] : memref<100000x128xf32, #tpu.memory_space<hbm>> -> memref<100000x128xf32, #tpu.memory_space<hbm>>
    tpu.enqueue_indirect_dma source(%dma_start3A_33 : memref<100000x128xf32, #tpu.memory_space<hbm>>) target(%dma_start3A_27 : memref<128x128xf32, #tpu.memory_space<vmem>>) offsets(%dma_start3A_30 : memref<128xi32, #tpu.memory_space<vmem>>) semaphore(%arg12 : memref<!tpu.dma_semaphore, #tpu.memory_space<semaphore_mem>>) {add = true}
    %dma_start3A_34 = arith.constant 1 : i32
    %dma_start3A_35 = arith.constant 128 : i32
    %dma_start3A_36 = arith.constant 0 : i32
    %dma_start3A_37 = tpu.memref_slice %arg9[%dma_start3A_35, %dma_start3A_36] : memref<200x128xf32, #tpu.memory_space<vmem>> -> memref<72x128xf32, #tpu.memory_space<vmem>>
    %dma_start3A_38 = arith.constant 128 : i32
    %dma_start3A_39 = tpu.memref_slice %arg6[%dma_start3A_34, %dma_start3A_38] : memref<128x200xi32, #tpu.memory_space<vmem>> -> memref<1x72xi32, #tpu.memory_space<vmem>>
    %dma_start3A_40 = tpu.memref_squeeze %dma_start3A_39 : memref<1x72xi32, #tpu.memory_space<vmem>> -> memref<72xi32, #tpu.memory_space<vmem>>
    %dma_start3A_41 = arith.constant 0 : i32
    %dma_start3A_42 = arith.constant 0 : i32
    %dma_start3A_43 = tpu.memref_slice %arg3[%dma_start3A_41, %dma_start3A_42] : memref<100000x128xf32, #tpu.memory_space<hbm>> -> memref<100000x128xf32, #tpu.memory_space<hbm>>
    tpu.enqueue_indirect_dma source(%dma_start3A_43 : memref<100000x128xf32, #tpu.memory_space<hbm>>) target(%dma_start3A_37 : memref<72x128xf32, #tpu.memory_space<vmem>>) offsets(%dma_start3A_40 : memref<72xi32, #tpu.memory_space<vmem>>) semaphore(%arg12 : memref<!tpu.dma_semaphore, #tpu.memory_space<semaphore_mem>>) {add = true}
    %dma_wait3A = arith.constant 0 : i32
    %dma_wait3A_44 = arith.constant 0 : i32
    %dma_wait3A_45 = arith.constant 0 : i32
    %dma_wait3A_46 = tpu.memref_slice %arg8[%dma_wait3A_44, %dma_wait3A_45] : memref<200x128xf32, #tpu.memory_space<vmem>> -> memref<128x128xf32, #tpu.memory_space<vmem>>
    %dma_wait3A_47 = arith.constant 0 : i32
    %dma_wait3A_48 = tpu.memref_slice %arg6[%dma_wait3A, %dma_wait3A_47] : memref<128x200xi32, #tpu.memory_space<vmem>> -> memref<1x128xi32, #tpu.memory_space<vmem>>
    %dma_wait3A_49 = tpu.memref_squeeze %dma_wait3A_48 : memref<1x128xi32, #tpu.memory_space<vmem>> -> memref<128xi32, #tpu.memory_space<vmem>>
    %dma_wait3A_50 = arith.constant 0 : i32
    %dma_wait3A_51 = arith.constant 0 : i32
    %dma_wait3A_52 = tpu.memref_slice %arg3[%dma_wait3A_50, %dma_wait3A_51] : memref<100000x128xf32, #tpu.memory_space<hbm>> -> memref<100000x128xf32, #tpu.memory_space<hbm>>
    tpu.wait_indirect_dma semaphore(%arg11 : memref<!tpu.dma_semaphore, #tpu.memory_space<semaphore_mem>>) src(%dma_wait3A_52 : memref<100000x128xf32, #tpu.memory_space<hbm>>) dst(%dma_wait3A_46 : memref<128x128xf32, #tpu.memory_space<vmem>>)
    %dma_wait3A_53 = arith.constant 0 : i32
    %dma_wait3A_54 = arith.constant 128 : i32
    %dma_wait3A_55 = arith.constant 0 : i32
    %dma_wait3A_56 = tpu.memref_slice %arg8[%dma_wait3A_54, %dma_wait3A_55] : memref<200x128xf32, #tpu.memory_space<vmem>> -> memref<72x128xf32, #tpu.memory_space<vmem>>
    %dma_wait3A_57 = arith.constant 128 : i32
    %dma_wait3A_58 = tpu.memref_slice %arg6[%dma_wait3A_53, %dma_wait3A_57] : memref<128x200xi32, #tpu.memory_space<vmem>> -> memref<1x72xi32, #tpu.memory_space<vmem>>
    %dma_wait3A_59 = tpu.memref_squeeze %dma_wait3A_58 : memref<1x72xi32, #tpu.memory_space<vmem>> -> memref<72xi32, #tpu.memory_space<vmem>>
    %dma_wait3A_60 = arith.constant 0 : i32
    %dma_wait3A_61 = arith.constant 0 : i32
    %dma_wait3A_62 = tpu.memref_slice %arg3[%dma_wait3A_60, %dma_wait3A_61] : memref<100000x128xf32, #tpu.memory_space<hbm>> -> memref<100000x128xf32, #tpu.memory_space<hbm>>
    tpu.wait_indirect_dma semaphore(%arg11 : memref<!tpu.dma_semaphore, #tpu.memory_space<semaphore_mem>>) src(%dma_wait3A_62 : memref<100000x128xf32, #tpu.memory_space<hbm>>) dst(%dma_wait3A_56 : memref<72x128xf32, #tpu.memory_space<vmem>>)
    %scan3A = arith.constant 0 : i32
    %scan3A_63 = arith.constant 0 : i32
    %scan3A_64 = arith.constant 200 : i32
    %scan3A_65 = arith.addi %scan3A_63, %scan3A_64 : i32
    %scan3A_66 = arith.constant 1 : i32
    scf.for %scan3A_206 = %scan3A_63 to %scan3A_65 step %scan3A_66  : i32 {
      %get3A = arith.index_cast %scan3A_206 : i32 to index
      %get3A_207 = arith.constant 0 : index
      %get3A_208 = tpu.vector_load %arg8[%get3A, %get3A_207] {strides = array<i32>} : memref<200x128xf32, #tpu.memory_space<vmem>>, vector<1x16xf32>,
      %get3A_209 = vector.shape_cast %get3A_208 : vector<1x16xf32> to vector<16xf32>
      %swap3A = arith.index_cast %scan3A_206 : i32 to index
      %swap3A_210 = arith.constant 0 : index
      %swap3A_211 = tpu.vector_load %arg10[%swap3A, %swap3A_210] {strides = array<i32>} : memref<200x64xf32, #tpu.memory_space<vmem>>, vector<1x16xf32>,
      %swap3A_212 = vector.shape_cast %swap3A_211 : vector<1x16xf32> to vector<16xf32>
      %swap3A_213 = vector.shape_cast %get3A_209 : vector<16xf32> to vector<1x16xf32>
      tpu.vector_store %arg10[%swap3A, %swap3A_210], %swap3A_213 {strides = array<i32>} : memref<200x64xf32, #tpu.memory_space<vmem>>, vector<1x16xf32>,
      %get3A_214 = arith.index_cast %scan3A_206 : i32 to index
      %get3A_215 = arith.constant 16 : index
      %get3A_216 = tpu.vector_load %arg8[%get3A_214, %get3A_215] {strides = array<i32>} : memref<200x128xf32, #tpu.memory_space<vmem>>, vector<1x16xf32>,
      %get3A_217 = vector.shape_cast %get3A_216 : vector<1x16xf32> to vector<16xf32>
      %swap3A_218 = arith.index_cast %scan3A_206 : i32 to index
      %swap3A_219 = arith.constant 16 : index
      %swap3A_220 = tpu.vector_load %arg10[%swap3A_218, %swap3A_219] {strides = array<i32>} : memref<200x64xf32, #tpu.memory_space<vmem>>, vector<1x16xf32>,
      %swap3A_221 = vector.shape_cast %swap3A_220 : vector<1x16xf32> to vector<16xf32>
      %swap3A_222 = vector.shape_cast %get3A_217 : vector<16xf32> to vector<1x16xf32>
      tpu.vector_store %arg10[%swap3A_218, %swap3A_219], %swap3A_222 {strides = array<i32>} : memref<200x64xf32, #tpu.memory_space<vmem>>, vector<1x16xf32>,
      %get3A_223 = arith.index_cast %scan3A_206 : i32 to index
      %get3A_224 = arith.constant 32 : index
      %get3A_225 = tpu.vector_load %arg8[%get3A_223, %get3A_224] {strides = array<i32>} : memref<200x128xf32, #tpu.memory_space<vmem>>, vector<1x16xf32>,
      %get3A_226 = vector.shape_cast %get3A_225 : vector<1x16xf32> to vector<16xf32>
      %swap3A_227 = arith.index_cast %scan3A_206 : i32 to index
      %swap3A_228 = arith.constant 32 : index
      %swap3A_229 = tpu.vector_load %arg10[%swap3A_227, %swap3A_228] {strides = array<i32>} : memref<200x64xf32, #tpu.memory_space<vmem>>, vector<1x16xf32>,
      %swap3A_230 = vector.shape_cast %swap3A_229 : vector<1x16xf32> to vector<16xf32>
      %swap3A_231 = vector.shape_cast %get3A_226 : vector<16xf32> to vector<1x16xf32>
      tpu.vector_store %arg10[%swap3A_227, %swap3A_228], %swap3A_231 {strides = array<i32>} : memref<200x64xf32, #tpu.memory_space<vmem>>, vector<1x16xf32>,
      %get3A_232 = arith.index_cast %scan3A_206 : i32 to index
      %get3A_233 = arith.constant 48 : index
      %get3A_234 = tpu.vector_load %arg8[%get3A_232, %get3A_233] {strides = array<i32>} : memref<200x128xf32, #tpu.memory_space<vmem>>, vector<1x16xf32>,
      %get3A_235 = vector.shape_cast %get3A_234 : vector<1x16xf32> to vector<16xf32>
      %swap3A_236 = arith.index_cast %scan3A_206 : i32 to index
      %swap3A_237 = arith.constant 48 : index
      %swap3A_238 = tpu.vector_load %arg10[%swap3A_236, %swap3A_237] {strides = array<i32>} : memref<200x64xf32, #tpu.memory_space<vmem>>, vector<1x16xf32>,
      %swap3A_239 = vector.shape_cast %swap3A_238 : vector<1x16xf32> to vector<16xf32>
      %swap3A_240 = vector.shape_cast %get3A_235 : vector<16xf32> to vector<1x16xf32>
      tpu.vector_store %arg10[%swap3A_236, %swap3A_237], %swap3A_240 {strides = array<i32>} : memref<200x64xf32, #tpu.memory_space<vmem>>, vector<1x16xf32>,
    }
    %scan3A_67 = arith.constant 200 : i32
    %add3A_68 = arith.constant 0 : i32
    %add3A_69 = arith.addi %mul3A_2, %add3A_68 : i32
    %dma_start3A_70 = arith.constant 0 : i32
    %dma_start3A_71 = arith.constant 0 : i32
    %dma_start3A_72 = tpu.memref_slice %arg5[%add3A_69, %dma_start3A_70, %dma_start3A_71] : memref<4096x200x64xf32, #tpu.memory_space<hbm>> -> memref<1x200x64xf32, #tpu.memory_space<hbm>>
    %dma_start3A_73 = tpu.memref_squeeze %dma_start3A_72 : memref<1x200x64xf32, #tpu.memory_space<hbm>> -> memref<200x64xf32, #tpu.memory_space<hbm>>
    %dma_start3A_74 = arith.constant 0 : i32
    %dma_start3A_75 = arith.constant 0 : i32
    %dma_start3A_76 = tpu.memref_slice %arg5[%add3A_69, %dma_start3A_74, %dma_start3A_75] : memref<4096x200x64xf32, #tpu.memory_space<hbm>> -> memref<1x200x64xf32, #tpu.memory_space<hbm>>
    %dma_start3A_77 = tpu.memref_squeeze %dma_start3A_76 : memref<1x200x64xf32, #tpu.memory_space<hbm>> -> memref<200x64xf32, #tpu.memory_space<hbm>>
    tpu.enqueue_dma source(%arg10 : memref<200x64xf32, #tpu.memory_space<vmem>>) target(%dma_start3A_77 : memref<200x64xf32, #tpu.memory_space<hbm>>) target_semaphore(%arg13 : memref<!tpu.dma_semaphore, #tpu.memory_space<semaphore_mem>>)
    "tpu.region"() ({
      %run_scoped3A = tpu.sem_alloc : memref<!tpu.dma_semaphore, #tpu.memory_space<semaphore_mem>>
      tpu.enqueue_dma source(%arg7 : memref<200x128xf32, #tpu.memory_space<vmem_shared>>) target(%arg8 : memref<200x128xf32, #tpu.memory_space<vmem>>) target_semaphore(%run_scoped3A : memref<!tpu.dma_semaphore, #tpu.memory_space<semaphore_mem>>)
      tpu.wait_dma2 semaphore(%run_scoped3A : memref<!tpu.dma_semaphore, #tpu.memory_space<semaphore_mem>>) src(%arg7 : memref<200x128xf32, #tpu.memory_space<vmem_shared>>) dst(%arg8 : memref<200x128xf32, #tpu.memory_space<vmem>>)
      tpu.yield
    }) : () -> ()
    %dma_start3A_78 = arith.constant 2 : i32
    %dma_start3A_79 = arith.constant 0 : i32
    %dma_start3A_80 = arith.constant 0 : i32
    %dma_start3A_81 = tpu.memref_slice %arg8[%dma_start3A_79, %dma_start3A_80] : memref<200x128xf32, #tpu.memory_space<vmem>> -> memref<128x128xf32, #tpu.memory_space<vmem>>
    %dma_start3A_82 = arith.constant 0 : i32
    %dma_start3A_83 = tpu.memref_slice %arg6[%dma_start3A_78, %dma_start3A_82] : memref<128x200xi32, #tpu.memory_space<vmem>> -> memref<1x128xi32, #tpu.memory_space<vmem>>
    %dma_start3A_84 = tpu.memref_squeeze %dma_start3A_83 : memref<1x128xi32, #tpu.memory_space<vmem>> -> memref<128xi32, #tpu.memory_space<vmem>>
    %dma_start3A_85 = arith.constant 0 : i32
    %dma_start3A_86 = arith.constant 0 : i32
    %dma_start3A_87 = tpu.memref_slice %arg3[%dma_start3A_85, %dma_start3A_86] : memref<100000x128xf32, #tpu.memory_space<hbm>> -> memref<100000x128xf32, #tpu.memory_space<hbm>>
    tpu.enqueue_indirect_dma source(%dma_start3A_87 : memref<100000x128xf32, #tpu.memory_space<hbm>>) target(%dma_start3A_81 : memref<128x128xf32, #tpu.memory_space<vmem>>) offsets(%dma_start3A_84 : memref<128xi32, #tpu.memory_space<vmem>>) semaphore(%arg11 : memref<!tpu.dma_semaphore, #tpu.memory_space<semaphore_mem>>) {add = true}
    %dma_start3A_88 = arith.constant 2 : i32
    %dma_start3A_89 = arith.constant 128 : i32
    %dma_start3A_90 = arith.constant 0 : i32
    %dma_start3A_91 = tpu.memref_slice %arg8[%dma_start3A_89, %dma_start3A_90] : memref<200x128xf32, #tpu.memory_space<vmem>> -> memref<72x128xf32, #tpu.memory_space<vmem>>
    %dma_start3A_92 = arith.constant 128 : i32
    %dma_start3A_93 = tpu.memref_slice %arg6[%dma_start3A_88, %dma_start3A_92] : memref<128x200xi32, #tpu.memory_space<vmem>> -> memref<1x72xi32, #tpu.memory_space<vmem>>
    %dma_start3A_94 = tpu.memref_squeeze %dma_start3A_93 : memref<1x72xi32, #tpu.memory_space<vmem>> -> memref<72xi32, #tpu.memory_space<vmem>>
    %dma_start3A_95 = arith.constant 0 : i32
    %dma_start3A_96 = arith.constant 0 : i32
    %dma_start3A_97 = tpu.memref_slice %arg3[%dma_start3A_95, %dma_start3A_96] : memref<100000x128xf32, #tpu.memory_space<hbm>> -> memref<100000x128xf32, #tpu.memory_space<hbm>>
    tpu.enqueue_indirect_dma source(%dma_start3A_97 : memref<100000x128xf32, #tpu.memory_space<hbm>>) target(%dma_start3A_91 : memref<72x128xf32, #tpu.memory_space<vmem>>) offsets(%dma_start3A_94 : memref<72xi32, #tpu.memory_space<vmem>>) semaphore(%arg11 : memref<!tpu.dma_semaphore, #tpu.memory_space<semaphore_mem>>) {add = true}
    %scan3A_98 = arith.constant 0 : i32
    %scan3A_99 = arith.constant 1 : i32
    %scan3A_100 = arith.constant 125 : i32
    %scan3A_101 = arith.addi %scan3A_99, %scan3A_100 : i32
    %scan3A_102 = arith.constant 1 : i32
    scf.for %scan3A_206 = %scan3A_99 to %scan3A_101 step %scan3A_102  : i32 {
      %rem3A = arith.constant 2 : i32
      %rem3A_207 = arith.remsi %scan3A_206, %rem3A : i32
      %eq3A_208 = arith.constant 0 : i32
      %eq3A_209 = arith.cmpi eq, %rem3A_207, %eq3A_208 : i32
      %convert_element_type3A_210 = arith.extui %eq3A_209 : i1 to i32
      %cond3A_211 = arith.constant 0 : i32
      %cond3A_212 = arith.cmpi ne, %convert_element_type3A_210, %cond3A_211 : i32
      scf.if %cond3A_212 {
        %dma_wait3A_218 = arith.constant 0 : i32
        %dma_wait3A_219 = arith.constant 0 : i32
        %dma_wait3A_220 = tpu.memref_slice %arg8[%dma_wait3A_218, %dma_wait3A_219] : memref<200x128xf32, #tpu.memory_space<vmem>> -> memref<128x128xf32, #tpu.memory_space<vmem>>
        %dma_wait3A_221 = arith.constant 0 : i32
        %dma_wait3A_222 = tpu.memref_slice %arg6[%scan3A_206, %dma_wait3A_221] : memref<128x200xi32, #tpu.memory_space<vmem>> -> memref<1x128xi32, #tpu.memory_space<vmem>>
        %dma_wait3A_223 = tpu.memref_squeeze %dma_wait3A_222 : memref<1x128xi32, #tpu.memory_space<vmem>> -> memref<128xi32, #tpu.memory_space<vmem>>
        %dma_wait3A_224 = arith.constant 0 : i32
        %dma_wait3A_225 = arith.constant 0 : i32
        %dma_wait3A_226 = tpu.memref_slice %arg3[%dma_wait3A_224, %dma_wait3A_225] : memref<100000x128xf32, #tpu.memory_space<hbm>> -> memref<100000x128xf32, #tpu.memory_space<hbm>>
        tpu.wait_indirect_dma semaphore(%arg11 : memref<!tpu.dma_semaphore, #tpu.memory_space<semaphore_mem>>) src(%dma_wait3A_226 : memref<100000x128xf32, #tpu.memory_space<hbm>>) dst(%dma_wait3A_220 : memref<128x128xf32, #tpu.memory_space<vmem>>)
        %dma_wait3A_227 = arith.constant 128 : i32
        %dma_wait3A_228 = arith.constant 0 : i32
        %dma_wait3A_229 = tpu.memref_slice %arg8[%dma_wait3A_227, %dma_wait3A_228] : memref<200x128xf32, #tpu.memory_space<vmem>> -> memref<72x128xf32, #tpu.memory_space<vmem>>
        %dma_wait3A_230 = arith.constant 128 : i32
        %dma_wait3A_231 = tpu.memref_slice %arg6[%scan3A_206, %dma_wait3A_230] : memref<128x200xi32, #tpu.memory_space<vmem>> -> memref<1x72xi32, #tpu.memory_space<vmem>>
        %dma_wait3A_232 = tpu.memref_squeeze %dma_wait3A_231 : memref<1x72xi32, #tpu.memory_space<vmem>> -> memref<72xi32, #tpu.memory_space<vmem>>
        %dma_wait3A_233 = arith.constant 0 : i32
        %dma_wait3A_234 = arith.constant 0 : i32
        %dma_wait3A_235 = tpu.memref_slice %arg3[%dma_wait3A_233, %dma_wait3A_234] : memref<100000x128xf32, #tpu.memory_space<hbm>> -> memref<100000x128xf32, #tpu.memory_space<hbm>>
        tpu.wait_indirect_dma semaphore(%arg11 : memref<!tpu.dma_semaphore, #tpu.memory_space<semaphore_mem>>) src(%dma_wait3A_235 : memref<100000x128xf32, #tpu.memory_space<hbm>>) dst(%dma_wait3A_229 : memref<72x128xf32, #tpu.memory_space<vmem>>)
        %sub3A = arith.constant 1 : i32
        %sub3A_236 = arith.subi %scan3A_206, %sub3A : i32
        %add3A_237 = arith.addi %mul3A_2, %sub3A_236 : i32
        %dma_wait3A_238 = arith.constant 0 : i32
        %dma_wait3A_239 = arith.constant 0 : i32
        %dma_wait3A_240 = tpu.memref_slice %arg5[%add3A_237, %dma_wait3A_238, %dma_wait3A_239] : memref<4096x200x64xf32, #tpu.memory_space<hbm>> -> memref<1x200x64xf32, #tpu.memory_space<hbm>>
        %dma_wait3A_241 = tpu.memref_squeeze %dma_wait3A_240 : memref<1x200x64xf32, #tpu.memory_space<hbm>> -> memref<200x64xf32, #tpu.memory_space<hbm>>
        %dma_wait3A_242 = arith.constant 0 : i32
        %dma_wait3A_243 = arith.constant 0 : i32
        %dma_wait3A_244 = tpu.memref_slice %arg5[%add3A_237, %dma_wait3A_242, %dma_wait3A_243] : memref<4096x200x64xf32, #tpu.memory_space<hbm>> -> memref<1x200x64xf32, #tpu.memory_space<hbm>>
        %dma_wait3A_245 = tpu.memref_squeeze %dma_wait3A_244 : memref<1x200x64xf32, #tpu.memory_space<hbm>> -> memref<200x64xf32, #tpu.memory_space<hbm>>
        tpu.wait_dma2 semaphore(%arg13 : memref<!tpu.dma_semaphore, #tpu.memory_space<semaphore_mem>>) src(%arg10 : memref<200x64xf32, #tpu.memory_space<vmem>>) dst(%dma_wait3A_245 : memref<200x64xf32, #tpu.memory_space<hbm>>)
        %scan3A_246 = arith.constant 0 : i32
        %scan3A_247 = arith.constant 0 : i32
        %scan3A_248 = arith.constant 200 : i32
        %scan3A_249 = arith.addi %scan3A_247, %scan3A_248 : i32
        %scan3A_250 = arith.constant 1 : i32
        scf.for %scan3A_281 = %scan3A_247 to %scan3A_249 step %scan3A_250  : i32 {
          %get3A = arith.index_cast %scan3A_281 : i32 to index
          %get3A_282 = arith.constant 0 : index
          %get3A_283 = tpu.vector_load %arg8[%get3A, %get3A_282] {strides = array<i32>} : memref<200x128xf32, #tpu.memory_space<vmem>>, vector<1x16xf32>,
          %get3A_284 = vector.shape_cast %get3A_283 : vector<1x16xf32> to vector<16xf32>
          %swap3A = arith.index_cast %scan3A_281 : i32 to index
          %swap3A_285 = arith.constant 0 : index
          %swap3A_286 = tpu.vector_load %arg10[%swap3A, %swap3A_285] {strides = array<i32>} : memref<200x64xf32, #tpu.memory_space<vmem>>, vector<1x16xf32>,
          %swap3A_287 = vector.shape_cast %swap3A_286 : vector<1x16xf32> to vector<16xf32>
          %swap3A_288 = vector.shape_cast %get3A_284 : vector<16xf32> to vector<1x16xf32>
          tpu.vector_store %arg10[%swap3A, %swap3A_285], %swap3A_288 {strides = array<i32>} : memref<200x64xf32, #tpu.memory_space<vmem>>, vector<1x16xf32>,
          %get3A_289 = arith.index_cast %scan3A_281 : i32 to index
          %get3A_290 = arith.constant 16 : index
          %get3A_291 = tpu.vector_load %arg8[%get3A_289, %get3A_290] {strides = array<i32>} : memref<200x128xf32, #tpu.memory_space<vmem>>, vector<1x16xf32>,
          %get3A_292 = vector.shape_cast %get3A_291 : vector<1x16xf32> to vector<16xf32>
          %swap3A_293 = arith.index_cast %scan3A_281 : i32 to index
          %swap3A_294 = arith.constant 16 : index
          %swap3A_295 = tpu.vector_load %arg10[%swap3A_293, %swap3A_294] {strides = array<i32>} : memref<200x64xf32, #tpu.memory_space<vmem>>, vector<1x16xf32>,
          %swap3A_296 = vector.shape_cast %swap3A_295 : vector<1x16xf32> to vector<16xf32>
          %swap3A_297 = vector.shape_cast %get3A_292 : vector<16xf32> to vector<1x16xf32>
          tpu.vector_store %arg10[%swap3A_293, %swap3A_294], %swap3A_297 {strides = array<i32>} : memref<200x64xf32, #tpu.memory_space<vmem>>, vector<1x16xf32>,
          %get3A_298 = arith.index_cast %scan3A_281 : i32 to index
          %get3A_299 = arith.constant 32 : index
          %get3A_300 = tpu.vector_load %arg8[%get3A_298, %get3A_299] {strides = array<i32>} : memref<200x128xf32, #tpu.memory_space<vmem>>, vector<1x16xf32>,
          %get3A_301 = vector.shape_cast %get3A_300 : vector<1x16xf32> to vector<16xf32>
          %swap3A_302 = arith.index_cast %scan3A_281 : i32 to index
          %swap3A_303 = arith.constant 32 : index
          %swap3A_304 = tpu.vector_load %arg10[%swap3A_302, %swap3A_303] {strides = array<i32>} : memref<200x64xf32, #tpu.memory_space<vmem>>, vector<1x16xf32>,
          %swap3A_305 = vector.shape_cast %swap3A_304 : vector<1x16xf32> to vector<16xf32>
          %swap3A_306 = vector.shape_cast %get3A_301 : vector<16xf32> to vector<1x16xf32>
          tpu.vector_store %arg10[%swap3A_302, %swap3A_303], %swap3A_306 {strides = array<i32>} : memref<200x64xf32, #tpu.memory_space<vmem>>, vector<1x16xf32>,
          %get3A_307 = arith.index_cast %scan3A_281 : i32 to index
          %get3A_308 = arith.constant 48 : index
          %get3A_309 = tpu.vector_load %arg8[%get3A_307, %get3A_308] {strides = array<i32>} : memref<200x128xf32, #tpu.memory_space<vmem>>, vector<1x16xf32>,
          %get3A_310 = vector.shape_cast %get3A_309 : vector<1x16xf32> to vector<16xf32>
          %swap3A_311 = arith.index_cast %scan3A_281 : i32 to index
          %swap3A_312 = arith.constant 48 : index
          %swap3A_313 = tpu.vector_load %arg10[%swap3A_311, %swap3A_312] {strides = array<i32>} : memref<200x64xf32, #tpu.memory_space<vmem>>, vector<1x16xf32>,
          %swap3A_314 = vector.shape_cast %swap3A_313 : vector<1x16xf32> to vector<16xf32>
          %swap3A_315 = vector.shape_cast %get3A_310 : vector<16xf32> to vector<1x16xf32>
          tpu.vector_store %arg10[%swap3A_311, %swap3A_312], %swap3A_315 {strides = array<i32>} : memref<200x64xf32, #tpu.memory_space<vmem>>, vector<1x16xf32>,
        }
        %scan3A_251 = arith.constant 200 : i32
        %add3A_252 = arith.addi %mul3A_2, %scan3A_206 : i32
        %dma_start3A_253 = arith.constant 0 : i32
        %dma_start3A_254 = arith.constant 0 : i32
        %dma_start3A_255 = tpu.memref_slice %arg5[%add3A_252, %dma_start3A_253, %dma_start3A_254] : memref<4096x200x64xf32, #tpu.memory_space<hbm>> -> memref<1x200x64xf32, #tpu.memory_space<hbm>>
        %dma_start3A_256 = tpu.memref_squeeze %dma_start3A_255 : memref<1x200x64xf32, #tpu.memory_space<hbm>> -> memref<200x64xf32, #tpu.memory_space<hbm>>
        %dma_start3A_257 = arith.constant 0 : i32
        %dma_start3A_258 = arith.constant 0 : i32
        %dma_start3A_259 = tpu.memref_slice %arg5[%add3A_252, %dma_start3A_257, %dma_start3A_258] : memref<4096x200x64xf32, #tpu.memory_space<hbm>> -> memref<1x200x64xf32, #tpu.memory_space<hbm>>
        %dma_start3A_260 = tpu.memref_squeeze %dma_start3A_259 : memref<1x200x64xf32, #tpu.memory_space<hbm>> -> memref<200x64xf32, #tpu.memory_space<hbm>>
        tpu.enqueue_dma source(%arg10 : memref<200x64xf32, #tpu.memory_space<vmem>>) target(%dma_start3A_260 : memref<200x64xf32, #tpu.memory_space<hbm>>) target_semaphore(%arg13 : memref<!tpu.dma_semaphore, #tpu.memory_space<semaphore_mem>>)
        "tpu.region"() ({
          %run_scoped3A = tpu.sem_alloc : memref<!tpu.dma_semaphore, #tpu.memory_space<semaphore_mem>>
          tpu.enqueue_dma source(%arg7 : memref<200x128xf32, #tpu.memory_space<vmem_shared>>) target(%arg8 : memref<200x128xf32, #tpu.memory_space<vmem>>) target_semaphore(%run_scoped3A : memref<!tpu.dma_semaphore, #tpu.memory_space<semaphore_mem>>)
          tpu.wait_dma2 semaphore(%run_scoped3A : memref<!tpu.dma_semaphore, #tpu.memory_space<semaphore_mem>>) src(%arg7 : memref<200x128xf32, #tpu.memory_space<vmem_shared>>) dst(%arg8 : memref<200x128xf32, #tpu.memory_space<vmem>>)
          tpu.yield
        }) : () -> ()
        %add3A_261 = arith.constant 2 : i32
        %add3A_262 = arith.addi %scan3A_206, %add3A_261 : i32
        %dma_start3A_263 = arith.constant 0 : i32
        %dma_start3A_264 = arith.constant 0 : i32
        %dma_start3A_265 = tpu.memref_slice %arg8[%dma_start3A_263, %dma_start3A_264] : memref<200x128xf32, #tpu.memory_space<vmem>> -> memref<128x128xf32, #tpu.memory_space<vmem>>
        %dma_start3A_266 = arith.constant 0 : i32
        %dma_start3A_267 = tpu.memref_slice %arg6[%add3A_262, %dma_start3A_266] : memref<128x200xi32, #tpu.memory_space<vmem>> -> memref<1x128xi32, #tpu.memory_space<vmem>>
        %dma_start3A_268 = tpu.memref_squeeze %dma_start3A_267 : memref<1x128xi32, #tpu.memory_space<vmem>> -> memref<128xi32, #tpu.memory_space<vmem>>
        %dma_start3A_269 = arith.constant 0 : i32
        %dma_start3A_270 = arith.constant 0 : i32
        %dma_start3A_271 = tpu.memref_slice %arg3[%dma_start3A_269, %dma_start3A_270] : memref<100000x128xf32, #tpu.memory_space<hbm>> -> memref<100000x128xf32, #tpu.memory_space<hbm>>
        tpu.enqueue_indirect_dma source(%dma_start3A_271 : memref<100000x128xf32, #tpu.memory_space<hbm>>) target(%dma_start3A_265 : memref<128x128xf32, #tpu.memory_space<vmem>>) offsets(%dma_start3A_268 : memref<128xi32, #tpu.memory_space<vmem>>) semaphore(%arg11 : memref<!tpu.dma_semaphore, #tpu.memory_space<semaphore_mem>>) {add = true}
        %dma_start3A_272 = arith.constant 128 : i32
        %dma_start3A_273 = arith.constant 0 : i32
        %dma_start3A_274 = tpu.memref_slice %arg8[%dma_start3A_272, %dma_start3A_273] : memref<200x128xf32, #tpu.memory_space<vmem>> -> memref<72x128xf32, #tpu.memory_space<vmem>>
        %dma_start3A_275 = arith.constant 128 : i32
        %dma_start3A_276 = tpu.memref_slice %arg6[%add3A_262, %dma_start3A_275] : memref<128x200xi32, #tpu.memory_space<vmem>> -> memref<1x72xi32, #tpu.memory_space<vmem>>
        %dma_start3A_277 = tpu.memref_squeeze %dma_start3A_276 : memref<1x72xi32, #tpu.memory_space<vmem>> -> memref<72xi32, #tpu.memory_space<vmem>>
        %dma_start3A_278 = arith.constant 0 : i32
        %dma_start3A_279 = arith.constant 0 : i32
        %dma_start3A_280 = tpu.memref_slice %arg3[%dma_start3A_278, %dma_start3A_279] : memref<100000x128xf32, #tpu.memory_space<hbm>> -> memref<100000x128xf32, #tpu.memory_space<hbm>>
        tpu.enqueue_indirect_dma source(%dma_start3A_280 : memref<100000x128xf32, #tpu.memory_space<hbm>>) target(%dma_start3A_274 : memref<72x128xf32, #tpu.memory_space<vmem>>) offsets(%dma_start3A_277 : memref<72xi32, #tpu.memory_space<vmem>>) semaphore(%arg11 : memref<!tpu.dma_semaphore, #tpu.memory_space<semaphore_mem>>) {add = true}
      } else {
      }
      %eq3A_213 = arith.constant 1 : i32
      %eq3A_214 = arith.cmpi eq, %rem3A_207, %eq3A_213 : i32
      %convert_element_type3A_215 = arith.extui %eq3A_214 : i1 to i32
      %cond3A_216 = arith.constant 0 : i32
      %cond3A_217 = arith.cmpi ne, %convert_element_type3A_215, %cond3A_216 : i32
      scf.if %cond3A_217 {
        %dma_wait3A_218 = arith.constant 0 : i32
        %dma_wait3A_219 = arith.constant 0 : i32
        %dma_wait3A_220 = tpu.memref_slice %arg9[%dma_wait3A_218, %dma_wait3A_219] : memref<200x128xf32, #tpu.memory_space<vmem>> -> memref<128x128xf32, #tpu.memory_space<vmem>>
        %dma_wait3A_221 = arith.constant 0 : i32
        %dma_wait3A_222 = tpu.memref_slice %arg6[%scan3A_206, %dma_wait3A_221] : memref<128x200xi32, #tpu.memory_space<vmem>> -> memref<1x128xi32, #tpu.memory_space<vmem>>
        %dma_wait3A_223 = tpu.memref_squeeze %dma_wait3A_222 : memref<1x128xi32, #tpu.memory_space<vmem>> -> memref<128xi32, #tpu.memory_space<vmem>>
        %dma_wait3A_224 = arith.constant 0 : i32
        %dma_wait3A_225 = arith.constant 0 : i32
        %dma_wait3A_226 = tpu.memref_slice %arg3[%dma_wait3A_224, %dma_wait3A_225] : memref<100000x128xf32, #tpu.memory_space<hbm>> -> memref<100000x128xf32, #tpu.memory_space<hbm>>
        tpu.wait_indirect_dma semaphore(%arg12 : memref<!tpu.dma_semaphore, #tpu.memory_space<semaphore_mem>>) src(%dma_wait3A_226 : memref<100000x128xf32, #tpu.memory_space<hbm>>) dst(%dma_wait3A_220 : memref<128x128xf32, #tpu.memory_space<vmem>>)
        %dma_wait3A_227 = arith.constant 128 : i32
        %dma_wait3A_228 = arith.constant 0 : i32
        %dma_wait3A_229 = tpu.memref_slice %arg9[%dma_wait3A_227, %dma_wait3A_228] : memref<200x128xf32, #tpu.memory_space<vmem>> -> memref<72x128xf32, #tpu.memory_space<vmem>>
        %dma_wait3A_230 = arith.constant 128 : i32
        %dma_wait3A_231 = tpu.memref_slice %arg6[%scan3A_206, %dma_wait3A_230] : memref<128x200xi32, #tpu.memory_space<vmem>> -> memref<1x72xi32, #tpu.memory_space<vmem>>
        %dma_wait3A_232 = tpu.memref_squeeze %dma_wait3A_231 : memref<1x72xi32, #tpu.memory_space<vmem>> -> memref<72xi32, #tpu.memory_space<vmem>>
        %dma_wait3A_233 = arith.constant 0 : i32
        %dma_wait3A_234 = arith.constant 0 : i32
        %dma_wait3A_235 = tpu.memref_slice %arg3[%dma_wait3A_233, %dma_wait3A_234] : memref<100000x128xf32, #tpu.memory_space<hbm>> -> memref<100000x128xf32, #tpu.memory_space<hbm>>
        tpu.wait_indirect_dma semaphore(%arg12 : memref<!tpu.dma_semaphore, #tpu.memory_space<semaphore_mem>>) src(%dma_wait3A_235 : memref<100000x128xf32, #tpu.memory_space<hbm>>) dst(%dma_wait3A_229 : memref<72x128xf32, #tpu.memory_space<vmem>>)
        %sub3A = arith.constant 1 : i32
        %sub3A_236 = arith.subi %scan3A_206, %sub3A : i32
        %add3A_237 = arith.addi %mul3A_2, %sub3A_236 : i32
        %dma_wait3A_238 = arith.constant 0 : i32
        %dma_wait3A_239 = arith.constant 0 : i32
        %dma_wait3A_240 = tpu.memref_slice %arg5[%add3A_237, %dma_wait3A_238, %dma_wait3A_239] : memref<4096x200x64xf32, #tpu.memory_space<hbm>> -> memref<1x200x64xf32, #tpu.memory_space<hbm>>
        %dma_wait3A_241 = tpu.memref_squeeze %dma_wait3A_240 : memref<1x200x64xf32, #tpu.memory_space<hbm>> -> memref<200x64xf32, #tpu.memory_space<hbm>>
        %dma_wait3A_242 = arith.constant 0 : i32
        %dma_wait3A_243 = arith.constant 0 : i32
        %dma_wait3A_244 = tpu.memref_slice %arg5[%add3A_237, %dma_wait3A_242, %dma_wait3A_243] : memref<4096x200x64xf32, #tpu.memory_space<hbm>> -> memref<1x200x64xf32, #tpu.memory_space<hbm>>
        %dma_wait3A_245 = tpu.memref_squeeze %dma_wait3A_244 : memref<1x200x64xf32, #tpu.memory_space<hbm>> -> memref<200x64xf32, #tpu.memory_space<hbm>>
        tpu.wait_dma2 semaphore(%arg13 : memref<!tpu.dma_semaphore, #tpu.memory_space<semaphore_mem>>) src(%arg10 : memref<200x64xf32, #tpu.memory_space<vmem>>) dst(%dma_wait3A_245 : memref<200x64xf32, #tpu.memory_space<hbm>>)
        %scan3A_246 = arith.constant 0 : i32
        %scan3A_247 = arith.constant 0 : i32
        %scan3A_248 = arith.constant 200 : i32
        %scan3A_249 = arith.addi %scan3A_247, %scan3A_248 : i32
        %scan3A_250 = arith.constant 1 : i32
        scf.for %scan3A_281 = %scan3A_247 to %scan3A_249 step %scan3A_250  : i32 {
          %get3A = arith.index_cast %scan3A_281 : i32 to index
          %get3A_282 = arith.constant 0 : index
          %get3A_283 = tpu.vector_load %arg9[%get3A, %get3A_282] {strides = array<i32>} : memref<200x128xf32, #tpu.memory_space<vmem>>, vector<1x16xf32>,
          %get3A_284 = vector.shape_cast %get3A_283 : vector<1x16xf32> to vector<16xf32>
          %swap3A = arith.index_cast %scan3A_281 : i32 to index
          %swap3A_285 = arith.constant 0 : index
          %swap3A_286 = tpu.vector_load %arg10[%swap3A, %swap3A_285] {strides = array<i32>} : memref<200x64xf32, #tpu.memory_space<vmem>>, vector<1x16xf32>,
          %swap3A_287 = vector.shape_cast %swap3A_286 : vector<1x16xf32> to vector<16xf32>
          %swap3A_288 = vector.shape_cast %get3A_284 : vector<16xf32> to vector<1x16xf32>
          tpu.vector_store %arg10[%swap3A, %swap3A_285], %swap3A_288 {strides = array<i32>} : memref<200x64xf32, #tpu.memory_space<vmem>>, vector<1x16xf32>,
          %get3A_289 = arith.index_cast %scan3A_281 : i32 to index
          %get3A_290 = arith.constant 16 : index
          %get3A_291 = tpu.vector_load %arg9[%get3A_289, %get3A_290] {strides = array<i32>} : memref<200x128xf32, #tpu.memory_space<vmem>>, vector<1x16xf32>,
          %get3A_292 = vector.shape_cast %get3A_291 : vector<1x16xf32> to vector<16xf32>
          %swap3A_293 = arith.index_cast %scan3A_281 : i32 to index
          %swap3A_294 = arith.constant 16 : index
          %swap3A_295 = tpu.vector_load %arg10[%swap3A_293, %swap3A_294] {strides = array<i32>} : memref<200x64xf32, #tpu.memory_space<vmem>>, vector<1x16xf32>,
          %swap3A_296 = vector.shape_cast %swap3A_295 : vector<1x16xf32> to vector<16xf32>
          %swap3A_297 = vector.shape_cast %get3A_292 : vector<16xf32> to vector<1x16xf32>
          tpu.vector_store %arg10[%swap3A_293, %swap3A_294], %swap3A_297 {strides = array<i32>} : memref<200x64xf32, #tpu.memory_space<vmem>>, vector<1x16xf32>,
          %get3A_298 = arith.index_cast %scan3A_281 : i32 to index
          %get3A_299 = arith.constant 32 : index
          %get3A_300 = tpu.vector_load %arg9[%get3A_298, %get3A_299] {strides = array<i32>} : memref<200x128xf32, #tpu.memory_space<vmem>>, vector<1x16xf32>,
          %get3A_301 = vector.shape_cast %get3A_300 : vector<1x16xf32> to vector<16xf32>
          %swap3A_302 = arith.index_cast %scan3A_281 : i32 to index
          %swap3A_303 = arith.constant 32 : index
          %swap3A_304 = tpu.vector_load %arg10[%swap3A_302, %swap3A_303] {strides = array<i32>} : memref<200x64xf32, #tpu.memory_space<vmem>>, vector<1x16xf32>,
          %swap3A_305 = vector.shape_cast %swap3A_304 : vector<1x16xf32> to vector<16xf32>
          %swap3A_306 = vector.shape_cast %get3A_301 : vector<16xf32> to vector<1x16xf32>
          tpu.vector_store %arg10[%swap3A_302, %swap3A_303], %swap3A_306 {strides = array<i32>} : memref<200x64xf32, #tpu.memory_space<vmem>>, vector<1x16xf32>,
          %get3A_307 = arith.index_cast %scan3A_281 : i32 to index
          %get3A_308 = arith.constant 48 : index
          %get3A_309 = tpu.vector_load %arg9[%get3A_307, %get3A_308] {strides = array<i32>} : memref<200x128xf32, #tpu.memory_space<vmem>>, vector<1x16xf32>,
          %get3A_310 = vector.shape_cast %get3A_309 : vector<1x16xf32> to vector<16xf32>
          %swap3A_311 = arith.index_cast %scan3A_281 : i32 to index
          %swap3A_312 = arith.constant 48 : index
          %swap3A_313 = tpu.vector_load %arg10[%swap3A_311, %swap3A_312] {strides = array<i32>} : memref<200x64xf32, #tpu.memory_space<vmem>>, vector<1x16xf32>,
          %swap3A_314 = vector.shape_cast %swap3A_313 : vector<1x16xf32> to vector<16xf32>
          %swap3A_315 = vector.shape_cast %get3A_310 : vector<16xf32> to vector<1x16xf32>
          tpu.vector_store %arg10[%swap3A_311, %swap3A_312], %swap3A_315 {strides = array<i32>} : memref<200x64xf32, #tpu.memory_space<vmem>>, vector<1x16xf32>,
        }
        %scan3A_251 = arith.constant 200 : i32
        %add3A_252 = arith.addi %mul3A_2, %scan3A_206 : i32
        %dma_start3A_253 = arith.constant 0 : i32
        %dma_start3A_254 = arith.constant 0 : i32
        %dma_start3A_255 = tpu.memref_slice %arg5[%add3A_252, %dma_start3A_253, %dma_start3A_254] : memref<4096x200x64xf32, #tpu.memory_space<hbm>> -> memref<1x200x64xf32, #tpu.memory_space<hbm>>
        %dma_start3A_256 = tpu.memref_squeeze %dma_start3A_255 : memref<1x200x64xf32, #tpu.memory_space<hbm>> -> memref<200x64xf32, #tpu.memory_space<hbm>>
        %dma_start3A_257 = arith.constant 0 : i32
        %dma_start3A_258 = arith.constant 0 : i32
        %dma_start3A_259 = tpu.memref_slice %arg5[%add3A_252, %dma_start3A_257, %dma_start3A_258] : memref<4096x200x64xf32, #tpu.memory_space<hbm>> -> memref<1x200x64xf32, #tpu.memory_space<hbm>>
        %dma_start3A_260 = tpu.memref_squeeze %dma_start3A_259 : memref<1x200x64xf32, #tpu.memory_space<hbm>> -> memref<200x64xf32, #tpu.memory_space<hbm>>
        tpu.enqueue_dma source(%arg10 : memref<200x64xf32, #tpu.memory_space<vmem>>) target(%dma_start3A_260 : memref<200x64xf32, #tpu.memory_space<hbm>>) target_semaphore(%arg13 : memref<!tpu.dma_semaphore, #tpu.memory_space<semaphore_mem>>)
        "tpu.region"() ({
          %run_scoped3A = tpu.sem_alloc : memref<!tpu.dma_semaphore, #tpu.memory_space<semaphore_mem>>
          tpu.enqueue_dma source(%arg7 : memref<200x128xf32, #tpu.memory_space<vmem_shared>>) target(%arg9 : memref<200x128xf32, #tpu.memory_space<vmem>>) target_semaphore(%run_scoped3A : memref<!tpu.dma_semaphore, #tpu.memory_space<semaphore_mem>>)
          tpu.wait_dma2 semaphore(%run_scoped3A : memref<!tpu.dma_semaphore, #tpu.memory_space<semaphore_mem>>) src(%arg7 : memref<200x128xf32, #tpu.memory_space<vmem_shared>>) dst(%arg9 : memref<200x128xf32, #tpu.memory_space<vmem>>)
          tpu.yield
        }) : () -> ()
        %add3A_261 = arith.constant 2 : i32
        %add3A_262 = arith.addi %scan3A_206, %add3A_261 : i32
        %dma_start3A_263 = arith.constant 0 : i32
        %dma_start3A_264 = arith.constant 0 : i32
        %dma_start3A_265 = tpu.memref_slice %arg9[%dma_start3A_263, %dma_start3A_264] : memref<200x128xf32, #tpu.memory_space<vmem>> -> memref<128x128xf32, #tpu.memory_space<vmem>>
        %dma_start3A_266 = arith.constant 0 : i32
        %dma_start3A_267 = tpu.memref_slice %arg6[%add3A_262, %dma_start3A_266] : memref<128x200xi32, #tpu.memory_space<vmem>> -> memref<1x128xi32, #tpu.memory_space<vmem>>
        %dma_start3A_268 = tpu.memref_squeeze %dma_start3A_267 : memref<1x128xi32, #tpu.memory_space<vmem>> -> memref<128xi32, #tpu.memory_space<vmem>>
        %dma_start3A_269 = arith.constant 0 : i32
        %dma_start3A_270 = arith.constant 0 : i32
        %dma_start3A_271 = tpu.memref_slice %arg3[%dma_start3A_269, %dma_start3A_270] : memref<100000x128xf32, #tpu.memory_space<hbm>> -> memref<100000x128xf32, #tpu.memory_space<hbm>>
        tpu.enqueue_indirect_dma source(%dma_start3A_271 : memref<100000x128xf32, #tpu.memory_space<hbm>>) target(%dma_start3A_265 : memref<128x128xf32, #tpu.memory_space<vmem>>) offsets(%dma_start3A_268 : memref<128xi32, #tpu.memory_space<vmem>>) semaphore(%arg12 : memref<!tpu.dma_semaphore, #tpu.memory_space<semaphore_mem>>) {add = true}
        %dma_start3A_272 = arith.constant 128 : i32
        %dma_start3A_273 = arith.constant 0 : i32
        %dma_start3A_274 = tpu.memref_slice %arg9[%dma_start3A_272, %dma_start3A_273] : memref<200x128xf32, #tpu.memory_space<vmem>> -> memref<72x128xf32, #tpu.memory_space<vmem>>
        %dma_start3A_275 = arith.constant 128 : i32
        %dma_start3A_276 = tpu.memref_slice %arg6[%add3A_262, %dma_start3A_275] : memref<128x200xi32, #tpu.memory_space<vmem>> -> memref<1x72xi32, #tpu.memory_space<vmem>>
        %dma_start3A_277 = tpu.memref_squeeze %dma_start3A_276 : memref<1x72xi32, #tpu.memory_space<vmem>> -> memref<72xi32, #tpu.memory_space<vmem>>
        %dma_start3A_278 = arith.constant 0 : i32
        %dma_start3A_279 = arith.constant 0 : i32
        %dma_start3A_280 = tpu.memref_slice %arg3[%dma_start3A_278, %dma_start3A_279] : memref<100000x128xf32, #tpu.memory_space<hbm>> -> memref<100000x128xf32, #tpu.memory_space<hbm>>
        tpu.enqueue_indirect_dma source(%dma_start3A_280 : memref<100000x128xf32, #tpu.memory_space<hbm>>) target(%dma_start3A_274 : memref<72x128xf32, #tpu.memory_space<vmem>>) offsets(%dma_start3A_277 : memref<72xi32, #tpu.memory_space<vmem>>) semaphore(%arg12 : memref<!tpu.dma_semaphore, #tpu.memory_space<semaphore_mem>>) {add = true}
      } else {
      }
    }
    %scan3A_103 = arith.constant 125 : i32
    %dma_wait3A_104 = arith.constant 126 : i32
    %dma_wait3A_105 = arith.constant 0 : i32
    %dma_wait3A_106 = arith.constant 0 : i32
    %dma_wait3A_107 = tpu.memref_slice %arg8[%dma_wait3A_105, %dma_wait3A_106] : memref<200x128xf32, #tpu.memory_space<vmem>> -> memref<128x128xf32, #tpu.memory_space<vmem>>
    %dma_wait3A_108 = arith.constant 0 : i32
    %dma_wait3A_109 = tpu.memref_slice %arg6[%dma_wait3A_104, %dma_wait3A_108] : memref<128x200xi32, #tpu.memory_space<vmem>> -> memref<1x128xi32, #tpu.memory_space<vmem>>
    %dma_wait3A_110 = tpu.memref_squeeze %dma_wait3A_109 : memref<1x128xi32, #tpu.memory_space<vmem>> -> memref<128xi32, #tpu.memory_space<vmem>>
    %dma_wait3A_111 = arith.constant 0 : i32
    %dma_wait3A_112 = arith.constant 0 : i32
    %dma_wait3A_113 = tpu.memref_slice %arg3[%dma_wait3A_111, %dma_wait3A_112] : memref<100000x128xf32, #tpu.memory_space<hbm>> -> memref<100000x128xf32, #tpu.memory_space<hbm>>
    tpu.wait_indirect_dma semaphore(%arg11 : memref<!tpu.dma_semaphore, #tpu.memory_space<semaphore_mem>>) src(%dma_wait3A_113 : memref<100000x128xf32, #tpu.memory_space<hbm>>) dst(%dma_wait3A_107 : memref<128x128xf32, #tpu.memory_space<vmem>>)
    %dma_wait3A_114 = arith.constant 126 : i32
    %dma_wait3A_115 = arith.constant 128 : i32
    %dma_wait3A_116 = arith.constant 0 : i32
    %dma_wait3A_117 = tpu.memref_slice %arg8[%dma_wait3A_115, %dma_wait3A_116] : memref<200x128xf32, #tpu.memory_space<vmem>> -> memref<72x128xf32, #tpu.memory_space<vmem>>
    %dma_wait3A_118 = arith.constant 128 : i32
    %dma_wait3A_119 = tpu.memref_slice %arg6[%dma_wait3A_114, %dma_wait3A_118] : memref<128x200xi32, #tpu.memory_space<vmem>> -> memref<1x72xi32, #tpu.memory_space<vmem>>
    %dma_wait3A_120 = tpu.memref_squeeze %dma_wait3A_119 : memref<1x72xi32, #tpu.memory_space<vmem>> -> memref<72xi32, #tpu.memory_space<vmem>>
    %dma_wait3A_121 = arith.constant 0 : i32
    %dma_wait3A_122 = arith.constant 0 : i32
    %dma_wait3A_123 = tpu.memref_slice %arg3[%dma_wait3A_121, %dma_wait3A_122] : memref<100000x128xf32, #tpu.memory_space<hbm>> -> memref<100000x128xf32, #tpu.memory_space<hbm>>
    tpu.wait_indirect_dma semaphore(%arg11 : memref<!tpu.dma_semaphore, #tpu.memory_space<semaphore_mem>>) src(%dma_wait3A_123 : memref<100000x128xf32, #tpu.memory_space<hbm>>) dst(%dma_wait3A_117 : memref<72x128xf32, #tpu.memory_space<vmem>>)
    %add3A_124 = arith.constant 125 : i32
    %add3A_125 = arith.addi %mul3A_2, %add3A_124 : i32
    %dma_wait3A_126 = arith.constant 0 : i32
    %dma_wait3A_127 = arith.constant 0 : i32
    %dma_wait3A_128 = tpu.memref_slice %arg5[%add3A_125, %dma_wait3A_126, %dma_wait3A_127] : memref<4096x200x64xf32, #tpu.memory_space<hbm>> -> memref<1x200x64xf32, #tpu.memory_space<hbm>>
    %dma_wait3A_129 = tpu.memref_squeeze %dma_wait3A_128 : memref<1x200x64xf32, #tpu.memory_space<hbm>> -> memref<200x64xf32, #tpu.memory_space<hbm>>
    %dma_wait3A_130 = arith.constant 0 : i32
    %dma_wait3A_131 = arith.constant 0 : i32
    %dma_wait3A_132 = tpu.memref_slice %arg5[%add3A_125, %dma_wait3A_130, %dma_wait3A_131] : memref<4096x200x64xf32, #tpu.memory_space<hbm>> -> memref<1x200x64xf32, #tpu.memory_space<hbm>>
    %dma_wait3A_133 = tpu.memref_squeeze %dma_wait3A_132 : memref<1x200x64xf32, #tpu.memory_space<hbm>> -> memref<200x64xf32, #tpu.memory_space<hbm>>
    tpu.wait_dma2 semaphore(%arg13 : memref<!tpu.dma_semaphore, #tpu.memory_space<semaphore_mem>>) src(%arg10 : memref<200x64xf32, #tpu.memory_space<vmem>>) dst(%dma_wait3A_133 : memref<200x64xf32, #tpu.memory_space<hbm>>)
    %scan3A_134 = arith.constant 0 : i32
    %scan3A_135 = arith.constant 0 : i32
    %scan3A_136 = arith.constant 200 : i32
    %scan3A_137 = arith.addi %scan3A_135, %scan3A_136 : i32
    %scan3A_138 = arith.constant 1 : i32
    scf.for %scan3A_206 = %scan3A_135 to %scan3A_137 step %scan3A_138  : i32 {
      %get3A = arith.index_cast %scan3A_206 : i32 to index
      %get3A_207 = arith.constant 0 : index
      %get3A_208 = tpu.vector_load %arg8[%get3A, %get3A_207] {strides = array<i32>} : memref<200x128xf32, #tpu.memory_space<vmem>>, vector<1x16xf32>,
      %get3A_209 = vector.shape_cast %get3A_208 : vector<1x16xf32> to vector<16xf32>
      %swap3A = arith.index_cast %scan3A_206 : i32 to index
      %swap3A_210 = arith.constant 0 : index
      %swap3A_211 = tpu.vector_load %arg10[%swap3A, %swap3A_210] {strides = array<i32>} : memref<200x64xf32, #tpu.memory_space<vmem>>, vector<1x16xf32>,
      %swap3A_212 = vector.shape_cast %swap3A_211 : vector<1x16xf32> to vector<16xf32>
      %swap3A_213 = vector.shape_cast %get3A_209 : vector<16xf32> to vector<1x16xf32>
      tpu.vector_store %arg10[%swap3A, %swap3A_210], %swap3A_213 {strides = array<i32>} : memref<200x64xf32, #tpu.memory_space<vmem>>, vector<1x16xf32>,
      %get3A_214 = arith.index_cast %scan3A_206 : i32 to index
      %get3A_215 = arith.constant 16 : index
      %get3A_216 = tpu.vector_load %arg8[%get3A_214, %get3A_215] {strides = array<i32>} : memref<200x128xf32, #tpu.memory_space<vmem>>, vector<1x16xf32>,
      %get3A_217 = vector.shape_cast %get3A_216 : vector<1x16xf32> to vector<16xf32>
      %swap3A_218 = arith.index_cast %scan3A_206 : i32 to index
      %swap3A_219 = arith.constant 16 : index
      %swap3A_220 = tpu.vector_load %arg10[%swap3A_218, %swap3A_219] {strides = array<i32>} : memref<200x64xf32, #tpu.memory_space<vmem>>, vector<1x16xf32>,
      %swap3A_221 = vector.shape_cast %swap3A_220 : vector<1x16xf32> to vector<16xf32>
      %swap3A_222 = vector.shape_cast %get3A_217 : vector<16xf32> to vector<1x16xf32>
      tpu.vector_store %arg10[%swap3A_218, %swap3A_219], %swap3A_222 {strides = array<i32>} : memref<200x64xf32, #tpu.memory_space<vmem>>, vector<1x16xf32>,
      %get3A_223 = arith.index_cast %scan3A_206 : i32 to index
      %get3A_224 = arith.constant 32 : index
      %get3A_225 = tpu.vector_load %arg8[%get3A_223, %get3A_224] {strides = array<i32>} : memref<200x128xf32, #tpu.memory_space<vmem>>, vector<1x16xf32>,
      %get3A_226 = vector.shape_cast %get3A_225 : vector<1x16xf32> to vector<16xf32>
      %swap3A_227 = arith.index_cast %scan3A_206 : i32 to index
      %swap3A_228 = arith.constant 32 : index
      %swap3A_229 = tpu.vector_load %arg10[%swap3A_227, %swap3A_228] {strides = array<i32>} : memref<200x64xf32, #tpu.memory_space<vmem>>, vector<1x16xf32>,
      %swap3A_230 = vector.shape_cast %swap3A_229 : vector<1x16xf32> to vector<16xf32>
      %swap3A_231 = vector.shape_cast %get3A_226 : vector<16xf32> to vector<1x16xf32>
      tpu.vector_store %arg10[%swap3A_227, %swap3A_228], %swap3A_231 {strides = array<i32>} : memref<200x64xf32, #tpu.memory_space<vmem>>, vector<1x16xf32>,
      %get3A_232 = arith.index_cast %scan3A_206 : i32 to index
      %get3A_233 = arith.constant 48 : index
      %get3A_234 = tpu.vector_load %arg8[%get3A_232, %get3A_233] {strides = array<i32>} : memref<200x128xf32, #tpu.memory_space<vmem>>, vector<1x16xf32>,
      %get3A_235 = vector.shape_cast %get3A_234 : vector<1x16xf32> to vector<16xf32>
      %swap3A_236 = arith.index_cast %scan3A_206 : i32 to index
      %swap3A_237 = arith.constant 48 : index
      %swap3A_238 = tpu.vector_load %arg10[%swap3A_236, %swap3A_237] {strides = array<i32>} : memref<200x64xf32, #tpu.memory_space<vmem>>, vector<1x16xf32>,
      %swap3A_239 = vector.shape_cast %swap3A_238 : vector<1x16xf32> to vector<16xf32>
      %swap3A_240 = vector.shape_cast %get3A_235 : vector<16xf32> to vector<1x16xf32>
      tpu.vector_store %arg10[%swap3A_236, %swap3A_237], %swap3A_240 {strides = array<i32>} : memref<200x64xf32, #tpu.memory_space<vmem>>, vector<1x16xf32>,
    }
    %scan3A_139 = arith.constant 200 : i32
    %add3A_140 = arith.constant 126 : i32
    %add3A_141 = arith.addi %mul3A_2, %add3A_140 : i32
    %dma_start3A_142 = arith.constant 0 : i32
    %dma_start3A_143 = arith.constant 0 : i32
    %dma_start3A_144 = tpu.memref_slice %arg5[%add3A_141, %dma_start3A_142, %dma_start3A_143] : memref<4096x200x64xf32, #tpu.memory_space<hbm>> -> memref<1x200x64xf32, #tpu.memory_space<hbm>>
    %dma_start3A_145 = tpu.memref_squeeze %dma_start3A_144 : memref<1x200x64xf32, #tpu.memory_space<hbm>> -> memref<200x64xf32, #tpu.memory_space<hbm>>
    %dma_start3A_146 = arith.constant 0 : i32
    %dma_start3A_147 = arith.constant 0 : i32
    %dma_start3A_148 = tpu.memref_slice %arg5[%add3A_141, %dma_start3A_146, %dma_start3A_147] : memref<4096x200x64xf32, #tpu.memory_space<hbm>> -> memref<1x200x64xf32, #tpu.memory_space<hbm>>
    %dma_start3A_149 = tpu.memref_squeeze %dma_start3A_148 : memref<1x200x64xf32, #tpu.memory_space<hbm>> -> memref<200x64xf32, #tpu.memory_space<hbm>>
    tpu.enqueue_dma source(%arg10 : memref<200x64xf32, #tpu.memory_space<vmem>>) target(%dma_start3A_149 : memref<200x64xf32, #tpu.memory_space<hbm>>) target_semaphore(%arg13 : memref<!tpu.dma_semaphore, #tpu.memory_space<semaphore_mem>>)
    %dma_wait3A_150 = arith.constant 127 : i32
    %dma_wait3A_151 = arith.constant 0 : i32
    %dma_wait3A_152 = arith.constant 0 : i32
    %dma_wait3A_153 = tpu.memref_slice %arg9[%dma_wait3A_151, %dma_wait3A_152] : memref<200x128xf32, #tpu.memory_space<vmem>> -> memref<128x128xf32, #tpu.memory_space<vmem>>
    %dma_wait3A_154 = arith.constant 0 : i32
    %dma_wait3A_155 = tpu.memref_slice %arg6[%dma_wait3A_150, %dma_wait3A_154] : memref<128x200xi32, #tpu.memory_space<vmem>> -> memref<1x128xi32, #tpu.memory_space<vmem>>
    %dma_wait3A_156 = tpu.memref_squeeze %dma_wait3A_155 : memref<1x128xi32, #tpu.memory_space<vmem>> -> memref<128xi32, #tpu.memory_space<vmem>>
    %dma_wait3A_157 = arith.constant 0 : i32
    %dma_wait3A_158 = arith.constant 0 : i32
    %dma_wait3A_159 = tpu.memref_slice %arg3[%dma_wait3A_157, %dma_wait3A_158] : memref<100000x128xf32, #tpu.memory_space<hbm>> -> memref<100000x128xf32, #tpu.memory_space<hbm>>
    tpu.wait_indirect_dma semaphore(%arg12 : memref<!tpu.dma_semaphore, #tpu.memory_space<semaphore_mem>>) src(%dma_wait3A_159 : memref<100000x128xf32, #tpu.memory_space<hbm>>) dst(%dma_wait3A_153 : memref<128x128xf32, #tpu.memory_space<vmem>>)
    %dma_wait3A_160 = arith.constant 127 : i32
    %dma_wait3A_161 = arith.constant 128 : i32
    %dma_wait3A_162 = arith.constant 0 : i32
    %dma_wait3A_163 = tpu.memref_slice %arg9[%dma_wait3A_161, %dma_wait3A_162] : memref<200x128xf32, #tpu.memory_space<vmem>> -> memref<72x128xf32, #tpu.memory_space<vmem>>
    %dma_wait3A_164 = arith.constant 128 : i32
    %dma_wait3A_165 = tpu.memref_slice %arg6[%dma_wait3A_160, %dma_wait3A_164] : memref<128x200xi32, #tpu.memory_space<vmem>> -> memref<1x72xi32, #tpu.memory_space<vmem>>
    %dma_wait3A_166 = tpu.memref_squeeze %dma_wait3A_165 : memref<1x72xi32, #tpu.memory_space<vmem>> -> memref<72xi32, #tpu.memory_space<vmem>>
    %dma_wait3A_167 = arith.constant 0 : i32
    %dma_wait3A_168 = arith.constant 0 : i32
    %dma_wait3A_169 = tpu.memref_slice %arg3[%dma_wait3A_167, %dma_wait3A_168] : memref<100000x128xf32, #tpu.memory_space<hbm>> -> memref<100000x128xf32, #tpu.memory_space<hbm>>
    tpu.wait_indirect_dma semaphore(%arg12 : memref<!tpu.dma_semaphore, #tpu.memory_space<semaphore_mem>>) src(%dma_wait3A_169 : memref<100000x128xf32, #tpu.memory_space<hbm>>) dst(%dma_wait3A_163 : memref<72x128xf32, #tpu.memory_space<vmem>>)
    %add3A_170 = arith.constant 126 : i32
    %add3A_171 = arith.addi %mul3A_2, %add3A_170 : i32
    %dma_wait3A_172 = arith.constant 0 : i32
    %dma_wait3A_173 = arith.constant 0 : i32
    %dma_wait3A_174 = tpu.memref_slice %arg5[%add3A_171, %dma_wait3A_172, %dma_wait3A_173] : memref<4096x200x64xf32, #tpu.memory_space<hbm>> -> memref<1x200x64xf32, #tpu.memory_space<hbm>>
    %dma_wait3A_175 = tpu.memref_squeeze %dma_wait3A_174 : memref<1x200x64xf32, #tpu.memory_space<hbm>> -> memref<200x64xf32, #tpu.memory_space<hbm>>
    %dma_wait3A_176 = arith.constant 0 : i32
    %dma_wait3A_177 = arith.constant 0 : i32
    %dma_wait3A_178 = tpu.memref_slice %arg5[%add3A_171, %dma_wait3A_176, %dma_wait3A_177] : memref<4096x200x64xf32, #tpu.memory_space<hbm>> -> memref<1x200x64xf32, #tpu.memory_space<hbm>>
    %dma_wait3A_179 = tpu.memref_squeeze %dma_wait3A_178 : memref<1x200x64xf32, #tpu.memory_space<hbm>> -> memref<200x64xf32, #tpu.memory_space<hbm>>
    tpu.wait_dma2 semaphore(%arg13 : memref<!tpu.dma_semaphore, #tpu.memory_space<semaphore_mem>>) src(%arg10 : memref<200x64xf32, #tpu.memory_space<vmem>>) dst(%dma_wait3A_179 : memref<200x64xf32, #tpu.memory_space<hbm>>)
    %scan3A_180 = arith.constant 0 : i32
    %scan3A_181 = arith.constant 0 : i32
    %scan3A_182 = arith.constant 200 : i32
    %scan3A_183 = arith.addi %scan3A_181, %scan3A_182 : i32
    %scan3A_184 = arith.constant 1 : i32
    scf.for %scan3A_206 = %scan3A_181 to %scan3A_183 step %scan3A_184  : i32 {
      %get3A = arith.index_cast %scan3A_206 : i32 to index
      %get3A_207 = arith.constant 0 : index
      %get3A_208 = tpu.vector_load %arg9[%get3A, %get3A_207] {strides = array<i32>} : memref<200x128xf32, #tpu.memory_space<vmem>>, vector<1x16xf32>,
      %get3A_209 = vector.shape_cast %get3A_208 : vector<1x16xf32> to vector<16xf32>
      %swap3A = arith.index_cast %scan3A_206 : i32 to index
      %swap3A_210 = arith.constant 0 : index
      %swap3A_211 = tpu.vector_load %arg10[%swap3A, %swap3A_210] {strides = array<i32>} : memref<200x64xf32, #tpu.memory_space<vmem>>, vector<1x16xf32>,
      %swap3A_212 = vector.shape_cast %swap3A_211 : vector<1x16xf32> to vector<16xf32>
      %swap3A_213 = vector.shape_cast %get3A_209 : vector<16xf32> to vector<1x16xf32>
      tpu.vector_store %arg10[%swap3A, %swap3A_210], %swap3A_213 {strides = array<i32>} : memref<200x64xf32, #tpu.memory_space<vmem>>, vector<1x16xf32>,
      %get3A_214 = arith.index_cast %scan3A_206 : i32 to index
      %get3A_215 = arith.constant 16 : index
      %get3A_216 = tpu.vector_load %arg9[%get3A_214, %get3A_215] {strides = array<i32>} : memref<200x128xf32, #tpu.memory_space<vmem>>, vector<1x16xf32>,
      %get3A_217 = vector.shape_cast %get3A_216 : vector<1x16xf32> to vector<16xf32>
      %swap3A_218 = arith.index_cast %scan3A_206 : i32 to index
      %swap3A_219 = arith.constant 16 : index
      %swap3A_220 = tpu.vector_load %arg10[%swap3A_218, %swap3A_219] {strides = array<i32>} : memref<200x64xf32, #tpu.memory_space<vmem>>, vector<1x16xf32>,
      %swap3A_221 = vector.shape_cast %swap3A_220 : vector<1x16xf32> to vector<16xf32>
      %swap3A_222 = vector.shape_cast %get3A_217 : vector<16xf32> to vector<1x16xf32>
      tpu.vector_store %arg10[%swap3A_218, %swap3A_219], %swap3A_222 {strides = array<i32>} : memref<200x64xf32, #tpu.memory_space<vmem>>, vector<1x16xf32>,
      %get3A_223 = arith.index_cast %scan3A_206 : i32 to index
      %get3A_224 = arith.constant 32 : index
      %get3A_225 = tpu.vector_load %arg9[%get3A_223, %get3A_224] {strides = array<i32>} : memref<200x128xf32, #tpu.memory_space<vmem>>, vector<1x16xf32>,
      %get3A_226 = vector.shape_cast %get3A_225 : vector<1x16xf32> to vector<16xf32>
      %swap3A_227 = arith.index_cast %scan3A_206 : i32 to index
      %swap3A_228 = arith.constant 32 : index
      %swap3A_229 = tpu.vector_load %arg10[%swap3A_227, %swap3A_228] {strides = array<i32>} : memref<200x64xf32, #tpu.memory_space<vmem>>, vector<1x16xf32>,
      %swap3A_230 = vector.shape_cast %swap3A_229 : vector<1x16xf32> to vector<16xf32>
      %swap3A_231 = vector.shape_cast %get3A_226 : vector<16xf32> to vector<1x16xf32>
      tpu.vector_store %arg10[%swap3A_227, %swap3A_228], %swap3A_231 {strides = array<i32>} : memref<200x64xf32, #tpu.memory_space<vmem>>, vector<1x16xf32>,
      %get3A_232 = arith.index_cast %scan3A_206 : i32 to index
      %get3A_233 = arith.constant 48 : index
      %get3A_234 = tpu.vector_load %arg9[%get3A_232, %get3A_233] {strides = array<i32>} : memref<200x128xf32, #tpu.memory_space<vmem>>, vector<1x16xf32>,
      %get3A_235 = vector.shape_cast %get3A_234 : vector<1x16xf32> to vector<16xf32>
      %swap3A_236 = arith.index_cast %scan3A_206 : i32 to index
      %swap3A_237 = arith.constant 48 : index
      %swap3A_238 = tpu.vector_load %arg10[%swap3A_236, %swap3A_237] {strides = array<i32>} : memref<200x64xf32, #tpu.memory_space<vmem>>, vector<1x16xf32>,
      %swap3A_239 = vector.shape_cast %swap3A_238 : vector<1x16xf32> to vector<16xf32>
      %swap3A_240 = vector.shape_cast %get3A_235 : vector<16xf32> to vector<1x16xf32>
      tpu.vector_store %arg10[%swap3A_236, %swap3A_237], %swap3A_240 {strides = array<i32>} : memref<200x64xf32, #tpu.memory_space<vmem>>, vector<1x16xf32>,
    }
    %scan3A_185 = arith.constant 200 : i32
    %add3A_186 = arith.constant 127 : i32
    %add3A_187 = arith.addi %mul3A_2, %add3A_186 : i32
    %dma_start3A_188 = arith.constant 0 : i32
    %dma_start3A_189 = arith.constant 0 : i32
    %dma_start3A_190 = tpu.memref_slice %arg5[%add3A_187, %dma_start3A_188, %dma_start3A_189] : memref<4096x200x64xf32, #tpu.memory_space<hbm>> -> memref<1x200x64xf32, #tpu.memory_space<hbm>>
    %dma_start3A_191 = tpu.memref_squeeze %dma_start3A_190 : memref<1x200x64xf32, #tpu.memory_space<hbm>> -> memref<200x64xf32, #tpu.memory_space<hbm>>
    %dma_start3A_192 = arith.constant 0 : i32
    %dma_start3A_193 = arith.constant 0 : i32
    %dma_start3A_194 = tpu.memref_slice %arg5[%add3A_187, %dma_start3A_192, %dma_start3A_193] : memref<4096x200x64xf32, #tpu.memory_space<hbm>> -> memref<1x200x64xf32, #tpu.memory_space<hbm>>
    %dma_start3A_195 = tpu.memref_squeeze %dma_start3A_194 : memref<1x200x64xf32, #tpu.memory_space<hbm>> -> memref<200x64xf32, #tpu.memory_space<hbm>>
    tpu.enqueue_dma source(%arg10 : memref<200x64xf32, #tpu.memory_space<vmem>>) target(%dma_start3A_195 : memref<200x64xf32, #tpu.memory_space<hbm>>) target_semaphore(%arg13 : memref<!tpu.dma_semaphore, #tpu.memory_space<semaphore_mem>>)
    %add3A_196 = arith.constant 127 : i32
    %add3A_197 = arith.addi %mul3A_2, %add3A_196 : i32
    %dma_wait3A_198 = arith.constant 0 : i32
    %dma_wait3A_199 = arith.constant 0 : i32
    %dma_wait3A_200 = tpu.memref_slice %arg5[%add3A_197, %dma_wait3A_198, %dma_wait3A_199] : memref<4096x200x64xf32, #tpu.memory_space<hbm>> -> memref<1x200x64xf32, #tpu.memory_space<hbm>>
    %dma_wait3A_201 = tpu.memref_squeeze %dma_wait3A_200 : memref<1x200x64xf32, #tpu.memory_space<hbm>> -> memref<200x64xf32, #tpu.memory_space<hbm>>
    %dma_wait3A_202 = arith.constant 0 : i32
    %dma_wait3A_203 = arith.constant 0 : i32
    %dma_wait3A_204 = tpu.memref_slice %arg5[%add3A_197, %dma_wait3A_202, %dma_wait3A_203] : memref<4096x200x64xf32, #tpu.memory_space<hbm>> -> memref<1x200x64xf32, #tpu.memory_space<hbm>>
    %dma_wait3A_205 = tpu.memref_squeeze %dma_wait3A_204 : memref<1x200x64xf32, #tpu.memory_space<hbm>> -> memref<200x64xf32, #tpu.memory_space<hbm>>
    tpu.wait_dma2 semaphore(%arg13 : memref<!tpu.dma_semaphore, #tpu.memory_space<semaphore_mem>>) src(%arg10 : memref<200x64xf32, #tpu.memory_space<vmem>>) dst(%dma_wait3A_205 : memref<200x64xf32, #tpu.memory_space<hbm>>)
    return
  }
}

</mosaic_0001>

<sc_bundles>
// kernel: kernel.3.cloned.1.call-start
scs
__scs_entry_jumppad:
0x0: {  	(pc) =	sbr.rel $0x88, $3  }
0x1: {  	(tag) =	ssettag $0x0;
	lr =	simm.s32 $0x1  }
0x2: {  	[smem:$0x3F9E] =	sst lr;
	_ =	strace $0xD0000000  }
0x3: {  	_ = 	snop  }
0x4: {  	_ = 	snop  }
0x5: {  	_ = 	snop  }
0x6: {  	_ = 	snop  }
0x7: {  	_ = 	snop  }
__scs_overlays_trampoline_lowered:
0x8: {  	[smem:$0x3FAD] =	sst s0  }
0x9: {  	[smem:$0x3FAE] =	sst s1  }
0xa: {  	[smem:$0x3FAF] =	sst s2  }
0xb: {  	[smem:$0x3FB0] =	sst s3  }
0xc: {  	[smem:$0x3FB1] =	sst s4  }
0xd: {  	[smem:$0x3FB2] =	sst s5  }
0xe: {  	[smem:$0x3FB3] =	sst s6  }
0xf: {  	[smem:$0x3FB4] =	sst s7  }
0x10: {  	[smem:$0x3FB5] =	sst s8  }
0x11: {  	[smem:$0x3FB6] =	sst s9;
	s0 =	simm.s32 @!p0 $0x0  }
0x12: {  	s1 =	sld [smem:$0x3F9C];
	s0 =	simm.s32 @p0 $0x1  }
0x13: {  	[smem:$0x3FB7] =	sst s0;
	s0 =	simm.s32 @!p1 $0x0  }
0x14: {  	s2 =	sld [smem:$0x3F9B];
	s0 =	simm.s32 @p1 $0x1  }
0x15: {  	[smem:$0x3FB8] =	sst s0;
	s0 =	simm.s32 @!p2 $0x0  }
0x16: {  	s3 =	sld [smem:$0x3FDB];
	s0 =	simm.s32 @p2 $0x1  }
0x17: {  	s4 =	simm.s32 $0x1BF5;
	[smem:$0x3FBA] =	sst s0  }
0x18: {  	s0 =	sld [smem:$0x3F9D];
	_ =	swait.ge [sflag:s4], $0x0  }
0x19: {  	s7 =	sld [smem:$0x3F9E]  }
0x1a: {  	s8 =	sadd.s32 $0xFFFFE003, lr  }
0x1b: {  	s9 =	sadd.s32 $0xFFFFFEF7, lr;
	s5 =	simm.s32 $0xFFFFFFFF;
	p2 =	slt.u32 s8, $0xFFFFF086  }
0x1c: {  	p1 =	slt.u32 s9, $0xF7A;
	s5 =	simm.s32 @!p2 $0x0  }
0x1d: {  	s5 =	simm.s32 @p1 $0x1;
	p0 =	seq.s32 s7, s2  }
0x1e: {  	s7 =	smul.u32 @!p0 $0xF7A, s2;
	p2 =	seq.s32 @!p0 s5, $0x0  }
0x1f: {  	s9 =	smul.u32 $0xF7A, s1;
	s8 =	simm.s32 @!p0 $0x1BF5;
	p2 =	por !p2, p0  }
0x20: {  	[sflag:s8] =	ssyncset.s32 @!p0 $0xFFFFF086;
	s6 =	sadd.s32 @!p0 s3, s7;
	s7 =	simm.s32 @!p0 $0x108  }
0x21: {  	s3 =	sadd.s32 s3, s9;
	s6 =	sadd.s32 @!p0 $0x88, s6;
	s7 =	simm.s32 @p2 $0x1082  }
0x22: {  	[simem:s7], [sflag:s8] =	dma.local @!p0 [hbm:s6], $0xF7A  }
0x23: {  	s9 =	sor.u32 $0xD0000000, s2;
	s6 =	simm.s32 $0x108;
	_ =	swait.ge @!p0 [sflag:s8], $0x0  }
0x24: {  	s3 =	sadd.s32 $0x88, s3;
	s6 =	simm.s32 @!p1 $0x1082;
	[sflag:s4] =	ssyncset.s32 $0xFFFFF086  }
0x25: {  	[simem:s6], [sflag:s4] =	dma.local [hbm:s3], $0xF7A  }
0x26: {  	[smem:$0x3F9E] =	sst s1;
	(tag) =	ssettag s2;
	_ =	strace s9  }
0x27: {  	s1 =	sld [smem:$0x3FAE]  }
0x28: {  	s2 =	sld [smem:$0x3FAF]  }
0x29: {  	s4 =	sld [smem:$0x3FB1]  }
0x2a: {  	p0 =	seq.s32 s5, $0x0;
	s5 =	sld [smem:$0x3FB2]  }
0x2b: {  	s6 =	sld [smem:$0x3FB3]  }
0x2c: {  	s7 =	sld [smem:$0x3FB4]  }
0x2d: {  	s3 =	simm.s32 $0x108;
	s8 =	sld [smem:$0x3FB5]  }
0x2e: {  	s3 =	simm.s32 @!p0 $0x1082;
	s9 =	sld [smem:$0x3FB6]  }
0x2f: {  	lr =	sadd.s32 s0, s3;
	s0 =	sld [smem:$0x3FAD]  }
0x30: {  	s3 =	sld [smem:$0x3FB0]  }
0x31: {  	[smem:$0x3FB9] =	sst s10  }
0x32: {  	s10 =	sld [smem:$0x3FB7];
	_ =	sdelay $0x3  }
0x33: {  	p0 =	seq.s32 s10, $0x1;
	s10 =	sld [smem:$0x3FB9];
	_ =	sdelay $0x3  }
0x34: {  	[smem:$0x3FB9] =	sst s10  }
0x35: {  	s10 =	sld [smem:$0x3FB8];
	_ =	sdelay $0x3  }
0x36: {  	p1 =	seq.s32 s10, $0x1;
	s10 =	sld [smem:$0x3FB9];
	_ =	sdelay $0x3  }
0x37: {  	[smem:$0x3FB9] =	sst s10  }
0x38: {  	s10 =	sld [smem:$0x3FBA]  }
0x39: {  	_ = 	snop;
	(pc) =	sbr.ind lr, $3  }
0x3a: {  	_ = 	snop  }
0x3b: {  	_ = 	snop  }
0x3c: {  	p2 =	seq.s32 s10, $0x1;
	s10 =	sld [smem:$0x3FB9]  }
0x3d: {  	_ =	shalt  }
0x3e: {  	_ =	shalt  }
0x3f: {  	_ =	shalt  }
0x40: {  	_ =	shalt  }
0x41: {  	_ =	shalt  }
0x42: {  	_ =	shalt  }
0x43: {  	_ =	shalt  }
0x44: {  	_ =	shalt  }
0x45: {  	_ =	shalt  }
0x46: {  	_ =	shalt  }
0x47: {  	_ =	shalt  }
0x48: {  	_ =	shalt  }
0x49: {  	_ =	shalt  }
0x4a: {  	_ =	shalt  }
0x4b: {  	_ =	shalt  }
0x4c: {  	_ =	shalt  }
0x4d: {  	_ =	shalt  }
0x4e: {  	_ =	shalt  }
0x4f: {  	_ =	shalt  }
0x50: {  	_ =	shalt  }
0x51: {  	_ =	shalt  }
0x52: {  	_ =	shalt  }
0x53: {  	_ =	shalt  }
0x54: {  	_ =	shalt  }
0x55: {  	_ =	shalt  }
0x56: {  	_ =	shalt  }
0x57: {  	_ =	shalt  }
0x58: {  	_ =	shalt  }
0x59: {  	_ =	shalt  }
0x5a: {  	_ =	shalt  }
0x5b: {  	_ =	shalt  }
0x5c: {  	_ =	shalt  }
0x5d: {  	_ =	shalt  }
0x5e: {  	_ =	shalt  }
0x5f: {  	_ =	shalt  }
0x60: {  	_ =	shalt  }
0x61: {  	_ =	shalt  }
0x62: {  	_ =	shalt  }
0x63: {  	_ =	shalt  }
0x64: {  	_ =	shalt  }
0x65: {  	_ =	shalt  }
0x66: {  	_ =	shalt  }
0x67: {  	_ =	shalt  }
0x68: {  	_ =	shalt  }
0x69: {  	_ =	shalt  }
0x6a: {  	_ =	shalt  }
0x6b: {  	_ =	shalt  }
0x6c: {  	_ =	shalt  }
0x6d: {  	_ =	shalt  }
0x6e: {  	_ =	shalt  }
0x6f: {  	_ =	shalt  }
0x70: {  	_ =	shalt  }
0x71: {  	_ =	shalt  }
0x72: {  	_ =	shalt  }
0x73: {  	_ =	shalt  }
0x74: {  	_ =	shalt  }
0x75: {  	_ =	shalt  }
0x76: {  	_ =	shalt  }
0x77: {  	_ =	shalt  }
0x78: {  	_ =	shalt  }
0x79: {  	_ =	shalt  }
0x7a: {  	_ =	shalt  }
0x7b: {  	_ =	shalt  }
0x7c: {  	_ =	shalt  }
0x7d: {  	_ =	shalt  }
0x7e: {  	_ =	shalt  }
0x7f: {  	_ =	shalt  }
0x80: {  	_ =	shalt  }
0x81: {  	_ =	shalt  }
0x82: {  	_ =	shalt  }
0x83: {  	_ =	shalt  }
0x84: {  	_ =	shalt  }
0x85: {  	_ =	shalt  }
0x86: {  	_ =	shalt  }
0x87: {  	_ =	shalt  }
.Lfunc_end0:
.L_simem_size_0:
called_computation_lowered:
.L_overlay_start_0:
0x88: {  	s2 =	sld [smem:$0x3FD9]  }
0x89: {  	s3 =	sld [smem:$0x3FFE];
	_ =	sdelay $0x1  }
0x8a: {  	s1 =	srdreg.scid  }
0x8b: {  	s0 =	sand.u32 $0x1, s1  }
0x8c: {  	s16 =	sshll.u32 s0, $0xA;
	s2 =	sadd.s32 s3, s2  }
0x8d: {  	s2 =	sadd.s32 s2, s16  }
0x8e: {  	[smem:$0x3FC5] =	sst s2  }
0x8f: {  	_ = 	snop  }
0x90: {  	(tm) =	ssettm $0x1  }
0x91: {  	s17 =	sld [smem:$0x3FFB];
	_ =	sdelay $0x3  }
0x92: {  	_ =	strace s17  }
0x93: {  	s2 =	sld [smem:$0x3FFC];
	_ =	sdelay $0x3  }
0x94: {  	_ =	strace s2  }
0x95: {  	s2 =	sld [smem:$0x3FFD];
	_ =	sdelay $0x3  }
0x96: {  	_ =	strace s2  }
0x97: {  	_ =	strace $0x8FFFFFFF  }
0x98: {  	s18 =	sld [smem:$0x3FDB];
	_ =	sdelay $0x1  }
0x99: {  	s19 =	simm.s32 $_scs_section_size  }
0x9a: {  	s4 =	simm.s32 $_size__tile_overlayer_lowered;
	s5 =	simm.s32 $_tile_overlayer_lowered  }
0x9b: {  	s22 =	simm.s32 $0x1BFF;
	s21 =	sshll.u32 s5, $0x1;
	s2 =	sadd.s32 s19, s18  }
0x9c: {  	s6 =	simm.s32 $0x0;
	s20 =	sshll.u32 s4, $0x1;
	s4 =	sadd.s32 s21, s2  }
0x9d: {  	[timem:s6], [sflag:s22] =	dma.local [hbm:s4], s20  }
0x9e: {  	_ =	swait.ge [sflag:s22], s20  }
0x9f: {  	s3 =	ssub.s32 $0x0, s20;
	[sflag:s22] =	ssyncset.done $0x0  }
0xa0: {  	[sflag:s22] =	ssyncadd.s32 s3;
	_ =	sdelay $0x1  }
0xa1: {  	s23 =	simm.s32 $0x1B8B  }
0xa2: {  	_ =	swait.ge [sflag:s23], $0x1  }
0xa3: {  	[sflag:s23] =	ssyncset.done $0x0  }
0xa4: {  	s25 =	simm.s32 $0x1B8E;
	s24 =	sld [smem:$0x3FFE];
	[sflag:s23] =	ssyncadd.s32 $0xFFFFFFFF  }
0xa5: {  	s26 =	simm.s32 $execute0_lowered;
	[smem:$0x3FD2] =	sst s25  }
0xa6: {  	s4 =	sshll.u32 s26, $0x1;
	_ =	strace $0x80000046;
	[dreg:$0x1] =	wrdreg $0xFFFFFFFF  }
0xa7: {  	s28 =	simm.s32 $_size_execute0_lowered;
	s2 =	sadd.s32 s2, s4;
	[dreg:$0x0] =	wrdreg $0x0  }
0xa8: {  	s4 =	sshll.u32 s28, $0x1;
	[dreg:$0x2] =	wrdreg s2  }
0xa9: {  	[dreg:$0x3] =	wrdreg s4  }
0xaa: {  	[dreg:$0x4] =	wrdreg $0xC0  }
0xab: {  	_ =	task [dreg:s6], $0x5FFFF  }
0xac: {  	[dreg:$0x1] =	wrdreg $0xFFFFFFFF  }
0xad: {  	[dreg:$0x0] =	wrdreg $0x60  }
0xae: {  	[dreg:$0x2] =	wrdreg s24  }
0xaf: {  	[dreg:$0x3] =	wrdreg $0x80000  }
0xb0: {  	[dreg:$0x4] =	wrdreg $0x9  }
0xb1: {  	_ =	task.clear_ibuf [dreg:s6], $0x5FFFF;
	_ =	strace $0x90000046  }
0xb2: {  	s29 =	simm.s32 $0x9;
	_ =	strace $0x80000048  }
0xb3: {  	_ =	swait.ge [sflag:s29], $0x1  }
0xb4: {  	[sflag:s29] =	ssyncadd.s32 $0xFFFFFFFF  }
0xb5: {  	_ =	strace $0x90000048  }
0xb6: {  	_ =	sfence  }
0xb7: {  	s30 =	sld [smem:$0x0];
	_ =	sdelay $0x2  }
0xb8: {  	s31 =	sshll.u32 s1, $0xD;
	s1 =	sshrl.u32 s1, $0x2  }
0xb9: {  	s3 =	sand.u32 $0x4000, s31;
	s1 =	sadd.s32 s1, s30  }
0xba: {  	s0 =	sor.u32 s3, s0;
	s1 =	sshll.u32 s1, $0x11  }
0xbb: {  	s0 =	sor.u32 s1, s0  }
0xbc: {  	s0 =	sadd.s32 $0x8F2B, s0  }
0xbd: {  	[sflag:s0] =	ssyncadd.remote.s32 $0x1  }
0xbe: {  	_ =	sfence.sel $0xFFFF  }
0xbf: {  	[dreg:$0x0] =	wrdreg $0xFFFFFFFF;
	(pc) =	sbr.abs _section_cstart, $3  }
0xc0: {  	[dreg:$0x1] =	wrdreg $0xFFFFFFFF  }
0xc1: {  	_ =	task.clear_ibuf [dreg:s6], $0x2FFFF;
	_ =	strace $0x9FFFFFFF  }
0xc2: {  	(tm) =	ssettm $0x7FFFFFFF  }
0xc3: {  	_ =	shalt  }
tec
execute0_lowered:
.L_overlay_start_1:
0x0: {  	(tag) =	ssettag $0x1  }
0x1: {  	s0 =	srdreg.scid  }
0x2: {  	s6 =	rddreg [dreg:$0x0];
	s11 =	stileid.u32  }
0x3: {  	s1 =	rddreg [dreg:$0x1];
	s2 =	simm.s32 $0x0;
	s12 =	simm.s32 $0x4  }
0x4: {  	s14 =	simm.s32 $0x8640;
	s15 =	simm.s32 $0x80;
	s16 =	simm.s32 $0x48  }
0x5: {  	s18 =	simm.s32 $0xC640;
	s19 =	simm.s32 $0xEA40;
	s20 =	simm.s32 $0x480  }
0x6: {  	s21 =	simm.s32 $0x12A40;
	s22 =	simm.s32 $0x1;
	s23 =	simm.s32 $0x14E40  }
0x7: {  	s24 =	simm.s32 $0x100;
	s25 =	simm.s32 $0x500;
	s26 =	simm.s32 $0x2  }
0x8: {  	s28 =	simm.s32 $0x3;
	s29 =	simm.s32 $0x0;
	s0 =	sand.u32 $0x1, s0  }
0x9: {  	s3 =	sshll.u32 s11, $0x8;
	[smem:$0x7FF] =	sst s2;
	s5 =	sadd.s32 $0x20400, s6  }
0xa: {  	p0 =	sne.s32 s11, $0x0;
	s4 =	sshll.u32 s0, $0x7;
	_ =	strace $0x80000047  }
0xb: {  	s0 =	ssub.s32 $0x2, s0;
	s13 =	sshrl.u32 @!p0 s1, $0x3;
	s3 =	sor.u32 s4, s3  }
0xc: {  	s9 =	sshrl.u32 s0, $0x1;
	s4 =	sshll.u32 s3, $0x5;
	s8 =	smul.u32 $0x6400, s3  }
0xd: {  	s10 =	smul.u32 $0xC80, s3;
	s0 =	ssub.s32 s0, s9;
	s7 =	sadd.s32 s4, s6  }
0xe: {  	s4 =	sadd.s32 $0x21200, s6;
	s6 =	sadd.s32 $0x1A7C00, s6;
	s30 =	sshrl.u32 s8, $0x3  }
0xf: {  	s11 =	smax.u32 s0, $0x1;
	s7 =	sadd.s32 $0x400, s7;
	s31 =	sadd.s32 s6, s30  }
0x10: {  	s8 =	sadd.s32 s6, s10;
	s9 =	sadd.s32 $0x62700, s31;
	s10 =	sadd.s32 $0x63380, s31  }
.LBB2_1:
0x11: {  	[tilespmem:s2], [sflag:$0x4] =	stream.linear.gather [hbm4b:s7+s2], $0x8000, $0x38;
	[tilespmem:$0x1B240] =	vst v63  }
0x12: {  	_ =	swait.ge [sflag:s12], $0x8000  }
0x13: {  	[sflag:s12] =	ssyncset.done $0x0  }
0x14: {  	s0 =	simm.s32 @!p0 $0x1C04;
	[sflag:s12] =	ssyncadd.s32 $0xFFFF8000  }
0x15: {  	[spmem:s13], [sflag:s0] =	dma.local @!p0 [hbm:s5], $0xC80  }
0x16: {  	s0 =	simm.s32 @!p0 $0x4  }
0x17: {  	_ =	swait.ge @!p0 [sflag:s0], $0xC80  }
0x18: {  	[sflag:s0] =	ssyncset.done @!p0 $0x0  }
0x19: {  	[sflag:s0] =	ssyncadd.s32 @!p0 $0xFFFFF380  }
0x1a: {  	[bflag:$0x0] =	sbarrier.arrive $0xFFFF  }
0x1b: {  	[tilespmem:s14], [sflag:$0x4] =	stream.linear.gather [spmem:s1], $0x6400, $0x38;
	[tilespmem:$0x1B240] =	vst v63  }
0x1c: {  	_ =	swait.ge [sflag:s12], $0x6400  }
0x1d: {  	[sflag:s12] =	ssyncset.done $0x0  }
0x1e: {  	[sflag:s12] =	ssyncadd.s32 $0xFFFF9C00  }
0x1f: {  	[tilespmem:s14], [sflag:$0x1] =	stream.indirect.gather.add.f32 [hbm:s4], $0x80, s2, s15, $0xb8;
	[tilespmem:$0x1B240] =	vst v63  }
0x20: {  	s17 =	simm.s32 $0x400  }
0x21: {  	[tilespmem:s18], [sflag:$0x1] =	stream.indirect.gather.add.f32 [hbm:s4], $0x80, s17, s16, $0xb8;
	[tilespmem:$0x1B240] =	vst v63  }
0x22: {  	_ = 	snop  }
0x23: {  	[tilespmem:s19], [sflag:$0x4] =	stream.linear.gather [spmem:s1], $0x6400, $0x38;
	[tilespmem:$0x1B240] =	vst v63  }
0x24: {  	_ =	swait.ge [sflag:s12], $0x6400  }
0x25: {  	[sflag:s12] =	ssyncset.done $0x0  }
0x26: {  	[sflag:s12] =	ssyncadd.s32 $0xFFFF9C00  }
0x27: {  	[tilespmem:s19], [sflag:$0x2] =	stream.indirect.gather.add.f32 [hbm:s4], $0x80, s15, s15, $0xb8;
	[tilespmem:$0x1B240] =	vst v63  }
0x28: {  	_ = 	snop  }
0x29: {  	[tilespmem:s21], [sflag:$0x2] =	stream.indirect.gather.add.f32 [hbm:s4], $0x80, s20, s16, $0xb8;
	[tilespmem:$0x1B240] =	vst v63  }
0x2a: {  	_ =	swait.ge [sflag:s22], $0x4000  }
0x2b: {  	[sflag:s22] =	ssyncset.done $0x0  }
0x2c: {  	[sflag:s22] =	ssyncadd.s32 $0xFFFFC000  }
0x2d: {  	_ =	swait.ge [sflag:s22], $0x2400  }
0x2e: {  	[sflag:s22] =	ssyncset.done $0x0  }
0x2f: {  	s30 =	simm.s32 $0x0;
	[sflag:s22] =	ssyncadd.s32 $0xFFFFDC00  }
0x30: {  	v0 =	vld [tilespmem:s30+$0x8670]  }
0x31: {  	v1 =	vld [tilespmem:s30+$0x8640]  }
0x32: {  	v2 =	vld [tilespmem:s30+$0x8650]  }
0x33: {  	s31 =	simm.s32 $0x200;
	v3 =	vld [tilespmem:s30+$0x8660]  }
.LBB2_2:
0x34: {  	p1 =	sne.s32 s31, $0x18E00  }
.Ltmp0:
0x35: {  	s0 =	sshra.s32 s31, $0x2;
	s31 =	sadd.s32 $0x200, s31;
	[tilespmem:s30+$0x14E70] =	vst v0;
	(pc) =	sbr.rel @p1 .LBB2_2-.Ltmp0, $4  }
0x36: {  	v0 =	vld [tilespmem:s0+$0x8670];
	[tilespmem:s30+$0x14E40] =	vst v1  }
0x37: {  	v1 =	vld [tilespmem:s0+$0x8640];
	[tilespmem:s30+$0x14E50] =	vst v2  }
0x38: {  	v2 =	vld [tilespmem:s0+$0x8650];
	[tilespmem:s30+$0x14E60] =	vst v3;
	s30 =	smov.u32 s0  }
0x39: {  	v3 =	vld [tilespmem:s30+$0x8660]  }
0x3a: {  	_ = 	snop  }
0x3b: {  	[tilespmem:s30+$0x14E70] =	vst v0  }
0x3c: {  	[tilespmem:s30+$0x14E40] =	vst v1  }
0x3d: {  	[tilespmem:s30+$0x14E50] =	vst v2  }
0x3e: {  	[tilespmem:s30+$0x14E60] =	vst v3  }
0x3f: {  	[hbm4b:s8+s2] =	stream.linear.scatter [tilespmem:s23], [sflag:$0x3], $0x6400, $0x38;
	[tilespmem:$0x1B240] =	vst v63  }
0x40: {  	_ = 	snop  }
0x41: {  	[tilespmem:s14], [sflag:$0x4] =	stream.linear.gather [spmem:s1], $0x6400, $0x38;
	[tilespmem:$0x1B240] =	vst v63  }
0x42: {  	_ =	swait.ge [sflag:s12], $0x6400  }
.Ltmp1:
0x43: {  	[sflag:s12] =	ssyncset.done $0x0;
	(pc) =	sbr.rel .LBB2_4-.Ltmp1, $4  }
0x44: {  	[sflag:s12] =	ssyncadd.s32 $0xFFFF9C00  }
0x45: {  	[tilespmem:s14], [sflag:$0x1] =	stream.indirect.gather.add.f32 [hbm:s4], $0x80, s24, s15, $0xb8;
	[tilespmem:$0x1B240] =	vst v63  }
0x46: {  	s30 =	simm.s32 $0x1  }
0x47: {  	[tilespmem:s18], [sflag:$0x1] =	stream.indirect.gather.add.f32 [hbm:s4], $0x80, s25, s16, $0xb8;
	[tilespmem:$0x1B240] =	vst v63  }
.LBB2_7:
0x48: {  	[tilespmem:s31+$0x14E70] =	vst v2;
	s0 =	sadd.s32 s3, s30  }
0x49: {  	[tilespmem:s31+$0x14E40] =	vst v1;
	s0 =	smul.u32 $0xC80, s0  }
0x4a: {  	[tilespmem:s31+$0x14E50] =	vst v0  }
0x4b: {  	[tilespmem:s31+$0x14E60] =	vst v3;
	s0 =	sadd.s32 s6, s0  }
0x4c: {  	[hbm4b:s0+s2] =	stream.linear.scatter [tilespmem:s23], [sflag:$0x3], $0x6400, $0x38;
	[tilespmem:$0x1B240] =	vst v63  }
0x4d: {  	s31 =	sadd.s32 $0x2, s30  }
0x4e: {  	[tilespmem:s14], [sflag:$0x4] =	stream.linear.gather [spmem:s1], $0x6400, $0x38;
	[tilespmem:$0x1B240] =	vst v63  }
0x4f: {  	s17 =	sshll.u32 s31, $0x8;
	s0 =	sshll.u32 s31, $0x7;
	_ =	swait.ge [sflag:s12], $0x6400  }
0x50: {  	s17 =	sand.u32 $0xF800, s17;
	s0 =	sand.u32 $0x300, s0;
	[sflag:s12] =	ssyncset.done $0x0  }
0x51: {  	s0 =	sor.u32 s0, s17;
	[sflag:s12] =	ssyncadd.s32 $0xFFFF9C00  }
0x52: {  	[tilespmem:s14], [sflag:$0x1] =	stream.indirect.gather.add.f32 [hbm:s4], $0x80, s0, s15, $0xb8;
	[tilespmem:$0x1B240] =	vst v63  }
0x53: {  	s0 =	sor.u32 $0x400, s0  }
0x54: {  	[tilespmem:s18], [sflag:$0x1] =	stream.indirect.gather.add.f32 [hbm:s4], $0x80, s0, s16, $0xb8;
	[tilespmem:$0x1B240] =	vst v63  }
.LBB2_11:
0x55: {  	s30 =	sadd.s32 $0x1, s30  }
0x56: {  	p1 =	sne.s32 s30, $0x7E  }
.Ltmp2:
0x57: {  	_ = 	snop;
	(pc) =	sbr.rel @!p1 .LBB2_12-.Ltmp2, $1  }
0x58: {  	_ =	sdelay $0x3  }
.LBB2_4:
0x59: {  	s0 =	sand.u32 $0x1, s30  }
0x5a: {  	p1 =	seq.s32 s0, $0x1  }
.Ltmp3:
0x5b: {  	_ = 	snop;
	(pc) =	sbr.rel @!p1 .LBB2_5-.Ltmp3, $1  }
0x5c: {  	_ =	sdelay $0x3  }
0x5d: {  	_ =	swait.ge [sflag:s26], $0x4000  }
0x5e: {  	[sflag:s26] =	ssyncset.done $0x0  }
0x5f: {  	[sflag:s26] =	ssyncadd.s32 $0xFFFFC000  }
0x60: {  	_ =	swait.ge [sflag:s26], $0x2400  }
0x61: {  	[sflag:s26] =	ssyncset.done $0x0  }
0x62: {  	[sflag:s26] =	ssyncadd.s32 $0xFFFFDC00  }
0x63: {  	_ =	swait.ge [sflag:s28], $0x6400  }
0x64: {  	[sflag:s28] =	ssyncset.done $0x0  }
0x65: {  	s31 =	simm.s32 $0x0;
	[sflag:s28] =	ssyncadd.s32 $0xFFFF9C00  }
0x66: {  	v2 =	vld [tilespmem:s31+$0xEA70]  }
0x67: {  	v1 =	vld [tilespmem:s31+$0xEA40]  }
0x68: {  	v0 =	vld [tilespmem:s31+$0xEA50]  }
0x69: {  	s0 =	simm.s32 $0x200;
	v3 =	vld [tilespmem:s31+$0xEA60]  }
.LBB2_9:
0x6a: {  	p1 =	sne.s32 s0, $0x18E00  }
.Ltmp4:
0x6b: {  	s17 =	sshra.s32 s0, $0x2;
	s0 =	sadd.s32 $0x200, s0;
	[tilespmem:s31+$0x14E70] =	vst v2;
	(pc) =	sbr.rel @p1 .LBB2_9-.Ltmp4, $4  }
0x6c: {  	v2 =	vld [tilespmem:s17+$0xEA70];
	[tilespmem:s31+$0x14E40] =	vst v1  }
0x6d: {  	v1 =	vld [tilespmem:s17+$0xEA40];
	[tilespmem:s31+$0x14E50] =	vst v0  }
0x6e: {  	v0 =	vld [tilespmem:s17+$0xEA50];
	[tilespmem:s31+$0x14E60] =	vst v3;
	s31 =	smov.u32 s17  }
0x6f: {  	v3 =	vld [tilespmem:s31+$0xEA60]  }
0x70: {  	_ = 	snop  }
0x71: {  	s0 =	sadd.s32 s3, s30;
	[tilespmem:s31+$0x14E70] =	vst v2  }
0x72: {  	s0 =	smul.u32 $0xC80, s0;
	[tilespmem:s31+$0x14E40] =	vst v1  }
0x73: {  	[tilespmem:s31+$0x14E50] =	vst v0  }
0x74: {  	s0 =	sadd.s32 s6, s0;
	[tilespmem:s31+$0x14E60] =	vst v3;
	s31 =	sadd.s32 $0x2, s30  }
0x75: {  	[hbm4b:s0+s2] =	stream.linear.scatter [tilespmem:s23], [sflag:$0x3], $0x6400, $0x38;
	[tilespmem:$0x1B240] =	vst v63  }
0x76: {  	s17 =	sshll.u32 s31, $0x8  }
0x77: {  	[tilespmem:s19], [sflag:$0x4] =	stream.linear.gather [spmem:s1], $0x6400, $0x38;
	[tilespmem:$0x1B240] =	vst v63  }
0x78: {  	s0 =	sshll.u32 s31, $0x7;
	s17 =	sand.u32 $0xF800, s17;
	_ =	swait.ge [sflag:s12], $0x6400  }
.Ltmp5:
0x79: {  	s0 =	sand.u32 $0x380, s0;
	[sflag:s12] =	ssyncset.done $0x0;
	(pc) =	sbr.rel .LBB2_11-.Ltmp5, $4  }
0x7a: {  	s0 =	sor.u32 s0, s17;
	[sflag:s12] =	ssyncadd.s32 $0xFFFF9C00  }
0x7b: {  	[tilespmem:s19], [sflag:$0x2] =	stream.indirect.gather.add.f32 [hbm:s4], $0x80, s0, s15, $0xb8;
	[tilespmem:$0x1B240] =	vst v63  }
0x7c: {  	s0 =	sor.u32 $0x400, s0  }
0x7d: {  	[tilespmem:s21], [sflag:$0x2] =	stream.indirect.gather.add.f32 [hbm:s4], $0x80, s0, s16, $0xb8;
	[tilespmem:$0x1B240] =	vst v63  }
.LBB2_5:
0x7e: {  	_ =	swait.ge [sflag:s22], $0x4000  }
0x7f: {  	[sflag:s22] =	ssyncset.done $0x0  }
0x80: {  	[sflag:s22] =	ssyncadd.s32 $0xFFFFC000  }
0x81: {  	_ =	swait.ge [sflag:s22], $0x2400  }
0x82: {  	[sflag:s22] =	ssyncset.done $0x0  }
0x83: {  	[sflag:s22] =	ssyncadd.s32 $0xFFFFDC00  }
0x84: {  	_ =	swait.ge [sflag:s28], $0x6400  }
0x85: {  	[sflag:s28] =	ssyncset.done $0x0  }
0x86: {  	s31 =	simm.s32 $0x0;
	[sflag:s28] =	ssyncadd.s32 $0xFFFF9C00  }
0x87: {  	v2 =	vld [tilespmem:s31+$0x8670]  }
0x88: {  	v1 =	vld [tilespmem:s31+$0x8640]  }
0x89: {  	v0 =	vld [tilespmem:s31+$0x8650]  }
0x8a: {  	s0 =	simm.s32 $0x200;
	v3 =	vld [tilespmem:s31+$0x8660]  }
.LBB2_6:
0x8b: {  	p1 =	sne.s32 s0, $0x18E00  }
.Ltmp6:
0x8c: {  	s17 =	sshra.s32 s0, $0x2;
	s0 =	sadd.s32 $0x200, s0;
	[tilespmem:s31+$0x14E70] =	vst v2;
	(pc) =	sbr.rel @p1 .LBB2_6-.Ltmp6, $4  }
0x8d: {  	v2 =	vld [tilespmem:s17+$0x8670];
	[tilespmem:s31+$0x14E40] =	vst v1  }
0x8e: {  	v1 =	vld [tilespmem:s17+$0x8640];
	[tilespmem:s31+$0x14E50] =	vst v0  }
0x8f: {  	v0 =	vld [tilespmem:s17+$0x8650];
	[tilespmem:s31+$0x14E60] =	vst v3;
	s31 =	smov.u32 s17  }
0x90: {  	v3 =	vld [tilespmem:s31+$0x8660]  }
.Ltmp7:
0x91: {  	_ = 	snop;
	(pc) =	sbr.rel .LBB2_7-.Ltmp7, $1  }
0x92: {  	_ =	sdelay $0x3  }
.LBB2_12:
0x93: {  	_ =	swait.ge [sflag:s22], $0x4000  }
0x94: {  	[sflag:s22] =	ssyncset.done $0x0  }
0x95: {  	[sflag:s22] =	ssyncadd.s32 $0xFFFFC000  }
0x96: {  	_ =	swait.ge [sflag:s22], $0x2400  }
0x97: {  	[sflag:s22] =	ssyncset.done $0x0  }
0x98: {  	[sflag:s22] =	ssyncadd.s32 $0xFFFFDC00  }
0x99: {  	_ =	swait.ge [sflag:s28], $0x6400  }
0x9a: {  	[sflag:s28] =	ssyncset.done $0x0  }
0x9b: {  	s30 =	simm.s32 $0x0;
	[sflag:s28] =	ssyncadd.s32 $0xFFFF9C00  }
0x9c: {  	v0 =	vld [tilespmem:s30+$0x8670]  }
0x9d: {  	v1 =	vld [tilespmem:s30+$0x8640]  }
0x9e: {  	v2 =	vld [tilespmem:s30+$0x8650]  }
0x9f: {  	s0 =	simm.s32 $0x200;
	v3 =	vld [tilespmem:s30+$0x8660]  }
.LBB2_13:
0xa0: {  	p1 =	sne.s32 s0, $0x18E00  }
.Ltmp8:
0xa1: {  	s17 =	sshra.s32 s0, $0x2;
	s0 =	sadd.s32 $0x200, s0;
	[tilespmem:s30+$0x14E70] =	vst v0;
	(pc) =	sbr.rel @p1 .LBB2_13-.Ltmp8, $4  }
0xa2: {  	v0 =	vld [tilespmem:s17+$0x8670];
	[tilespmem:s30+$0x14E40] =	vst v1  }
0xa3: {  	v1 =	vld [tilespmem:s17+$0x8640];
	[tilespmem:s30+$0x14E50] =	vst v2  }
0xa4: {  	v2 =	vld [tilespmem:s17+$0x8650];
	[tilespmem:s30+$0x14E60] =	vst v3;
	s30 =	smov.u32 s17  }
0xa5: {  	v3 =	vld [tilespmem:s30+$0x8660]  }
0xa6: {  	_ = 	snop  }
0xa7: {  	[tilespmem:s30+$0x14E70] =	vst v0  }
0xa8: {  	[tilespmem:s30+$0x14E40] =	vst v1  }
0xa9: {  	[tilespmem:s30+$0x14E50] =	vst v2  }
0xaa: {  	s0 =	simm.s32 $0x0;
	[tilespmem:s30+$0x14E60] =	vst v3  }
0xab: {  	[hbm4b:s9+s0] =	stream.linear.scatter [tilespmem:s23], [sflag:$0x3], $0x6400, $0x38;
	[tilespmem:$0x1B240] =	vst v63  }
0xac: {  	_ =	swait.ge [sflag:s26], $0x4000  }
0xad: {  	[sflag:s26] =	ssyncset.done $0x0  }
0xae: {  	[sflag:s26] =	ssyncadd.s32 $0xFFFFC000  }
0xaf: {  	_ =	swait.ge [sflag:s26], $0x2400  }
0xb0: {  	[sflag:s26] =	ssyncset.done $0x0  }
0xb1: {  	[sflag:s26] =	ssyncadd.s32 $0xFFFFDC00  }
0xb2: {  	_ =	swait.ge [sflag:s28], $0x6400  }
0xb3: {  	[sflag:s28] =	ssyncset.done $0x0  }
0xb4: {  	s30 =	simm.s32 $0x0;
	[sflag:s28] =	ssyncadd.s32 $0xFFFF9C00  }
0xb5: {  	v0 =	vld [tilespmem:s30+$0xEA70]  }
0xb6: {  	v1 =	vld [tilespmem:s30+$0xEA40]  }
0xb7: {  	v2 =	vld [tilespmem:s30+$0xEA50]  }
0xb8: {  	s0 =	simm.s32 $0x200;
	v3 =	vld [tilespmem:s30+$0xEA60]  }
.LBB2_15:
0xb9: {  	p1 =	sne.s32 s0, $0x18E00  }
.Ltmp9:
0xba: {  	s17 =	sshra.s32 s0, $0x2;
	s0 =	sadd.s32 $0x200, s0;
	[tilespmem:s30+$0x14E70] =	vst v0;
	(pc) =	sbr.rel @p1 .LBB2_15-.Ltmp9, $4  }
0xbb: {  	v0 =	vld [tilespmem:s17+$0xEA70];
	[tilespmem:s30+$0x14E40] =	vst v1  }
0xbc: {  	v1 =	vld [tilespmem:s17+$0xEA40];
	[tilespmem:s30+$0x14E50] =	vst v2  }
0xbd: {  	v2 =	vld [tilespmem:s17+$0xEA50];
	[tilespmem:s30+$0x14E60] =	vst v3;
	s30 =	smov.u32 s17  }
0xbe: {  	v3 =	vld [tilespmem:s30+$0xEA60]  }
0xbf: {  	_ = 	snop  }
0xc0: {  	[tilespmem:s30+$0x14E70] =	vst v0  }
0xc1: {  	s29 =	sadd.s32 $0x1, s29;
	[tilespmem:s30+$0x14E40] =	vst v1  }
0xc2: {  	p1 =	sne.s32 s29, s11;
	[tilespmem:s30+$0x14E50] =	vst v2  }
.Ltmp10:
0xc3: {  	[tilespmem:s30+$0x14E60] =	vst v3;
	(pc) =	sbr.rel @p1 .LBB2_1-.Ltmp10, $4  }
0xc4: {  	[hbm4b:s10+s2] =	stream.linear.scatter [tilespmem:s23], [sflag:$0x3], $0x6400, $0x38;
	[tilespmem:$0x1B240] =	vst v63  }
0xc5: {  	_ =	swait.ge [sflag:s28], $0x6400  }
0xc6: {  	[sflag:s28] =	ssyncset.done $0x0  }
0xc7: {  	[sflag:s28] =	ssyncadd.s32 $0xFFFF9C00  }
0xc8: {  	_ =	sfence.sel $0x180000  }
0xc9: {  	[bflag:$0x0] =	sbarrier.arrive $0xFFFF  }
0xca: {  	_ =	strace $0x90000047  }
0xcb: {  	[bflag:$0x2] =	sbarrier.arrive $0xFFFF  }
0xcc: {  	s0 =	rddreg [dreg:$0x2]  }
0xcd: {  	s0 =	sadd.s32 @!p0 $0x100000, s0  }
0xce: {  	[sflag:s0] =	ssyncadd.tile.s32 @!p0 $0x1;
	_ =	shalt  }
.Lfunc_end2:
_tile_overlayer_lowered:
.L_overlay_start_2:
0xcf: {  	(tag) =	ssettag $0x2  }
0xd0: {  	s0 =	rddreg [dreg:$0x0];
	s2 =	stileid.u32  }
0xd1: {  	s1 =	rddreg [dreg:$0x1];
	p0 =	sne.s32 s2, $0x0  }
0xd2: {  	s3 =	rddreg [dreg:$0x2];
	[bflag:$0x3] =	sbarrier.arrive $0xFFFF;
	s2 =	simm.s32 @!p0 $0x1C04  }
0xd3: {  	[timem:s3], [sflag:s2] =	dma.local @!p0 [hbm:s0], s1  }
0xd4: {  	s0 =	simm.s32 @!p0 $0x4  }
0xd5: {  	_ =	swait.ge @!p0 [sflag:s0], s1  }
0xd6: {  	s1 =	ssub.s32 @!p0 $0x0, s1;
	[sflag:s0] =	ssyncset.done @!p0 $0x0  }
0xd7: {  	[sflag:s0] =	ssyncadd.s32 @!p0 s1  }
0xd8: {  	[bflag:$0x3] =	sbarrier.arrive $0xFFFF  }
0xd9: {  	_ =	shalt  }

</sc_bundles>
